<compile_context>
chip_gen: v7x
topology: tpu7x:2x2x1
jax: 0.10.2.dev20260603
libtpu: 0.0.44.dev20260713+nightly
codegen_flags: <defaults>
</compile_context>

<pallas_src>
import functools

import jax
import jax.numpy as jnp
from jax import lax
from jax.experimental import pallas as pl
from jax.experimental.pallas import tpu as pltpu
from jax.experimental.pallas import tpu_sc as plsc

B = 8
N = 4096
S = 1024
K = 16
G = 16
D_FEAT = 32
C0 = 35
C1 = 64
C2 = 64
DP = 48
NW = 32
ROWS_MLP = 131072
BLK_MLP = 2048
SB = 256
NCH = N // 128

_BIG_F = float("inf")
_BIG_I = 2**30



def _fps_body(xs_ref, ys_ref, zs_ref, out_ref):
    X = xs_ref[...]
    Y = ys_ref[...]
    Z = zs_ref[...]
    iota = lax.broadcasted_iota(jnp.int32, (B, N), 1)

    io1024 = lax.broadcasted_iota(jnp.int32, (B, S), 1)
    row = lax.broadcasted_iota(jnp.int32, (B, S), 0)

    def body(i, carry):
        far, dmin, outv = carry
        outv = outv + (io1024 == i).astype(jnp.int32) * far
        onehot = (iota == far).astype(jnp.float32)
        cx = jnp.sum(onehot * X, axis=1, keepdims=True)
        cy = jnp.sum(onehot * Y, axis=1, keepdims=True)
        cz = jnp.sum(onehot * Z, axis=1, keepdims=True)
        dx = X - cx
        dy = Y - cy
        dz = Z - cz
        d = (dx * dx + dy * dy) + dz * dz
        dmin = jnp.minimum(dmin, d)
        m = jnp.max(dmin, axis=1, keepdims=True)
        far2 = jnp.min(iota + (dmin != m).astype(jnp.int32) * _BIG_I,
                       axis=1, keepdims=True)
        return far2.astype(jnp.int32), dmin, outv

    far0 = (xs_ref[:, 0:1] * 0.0).astype(jnp.int32)
    dmin0 = X * 0.0 + 1e10
    outv0 = (io1024 + row) * 0
    _, _, outv = lax.fori_loop(0, S, body, (far0, dmin0, outv0))
    out_ref[...] = outv + row * N


def _fps(xs, ys, zs):
    return pl.pallas_call(
        _fps_body,
        out_shape=jax.ShapeDtypeStruct((B, S), jnp.int32),
    )(xs, ys, zs)



def _make_sc_gather(btot):
    rows = btot // NW
    nch = rows // 128
    mesh = plsc.VectorSubcoreMesh(core_axis_name="c", subcore_axis_name="s")

    @functools.partial(
        pl.kernel,
        mesh=mesh,
        out_type=jax.ShapeDtypeStruct((btot, DP), jnp.float32),
        scratch_types=[
            pltpu.VMEM((128,), jnp.int32),
            pltpu.VMEM((128, DP), jnp.float32),
            pltpu.SemaphoreType.DMA,
        ],
        compiler_params=pltpu.CompilerParams(use_tc_tiling_on_sc=False),
    )
    def gather_kernel(table_hbm, idx_hbm, out_hbm, idx_v, rows_v, sem):
        wid = lax.axis_index("s") * 2 + lax.axis_index("c")
        base = wid * rows

        def body(j, c):
            off = base + j * 128
            pltpu.sync_copy(idx_hbm.at[pl.ds(off, 128)], idx_v)
            pltpu.async_copy(table_hbm.at[idx_v], rows_v, sem).wait()
            pltpu.sync_copy(rows_v, out_hbm.at[pl.ds(off, 128)])
            return c

        lax.fori_loop(0, nch, body, 0)

    return gather_kernel



def _knn_body(q_ref, kt_ref, out_ref, d_ref):
    b = pl.program_id(0)
    q = q_ref[0]
    q2 = q * q
    qn = (q2[:, 0:1] + q2[:, 1:2]) + q2[:, 2:3]
    qb = q.astype(jnp.bfloat16).astype(jnp.float32)
    lane = lax.broadcasted_iota(jnp.int32, (SB, 128), 1)

    def init_chunk(c, carry):
        off = pl.multiple_of(c * 128, 128)
        ktc = kt_ref[0, :, pl.ds(off, 128)]
        k2 = ktc * ktc
        kn = (k2[0:1, :] + k2[1:2, :]) + k2[2:3, :]
        kb = ktc.astype(jnp.bfloat16).astype(jnp.float32)
        mm = (qb[:, 0:1] * kb[0:1, :] + qb[:, 1:2] * kb[1:2, :]) \
            + qb[:, 2:3] * kb[2:3, :]
        d_ref[:, pl.ds(off, 128)] = (qn + kn) - 2.0 * mm
        return carry

    lax.fori_loop(0, NCH, init_chunk, 0, unroll=8)

    io16 = lax.broadcasted_iota(jnp.int32, (SB, K), 1)

    def select(k, carry):
        am_prev, outv = carry

        def chunk(c, mc):
            m, am = mc
            off = pl.multiple_of(c * 128, 128)
            v = d_ref[:, pl.ds(off, 128)]
            gi = lane + off
            v = v + (gi == am_prev).astype(jnp.float32) * 1e30
            d_ref[:, pl.ds(off, 128)] = v
            mc_ = jnp.min(v, axis=1, keepdims=True)
            amc = jnp.min(gi + (v != mc_).astype(jnp.int32) * _BIG_I,
                          axis=1, keepdims=True)
            am2 = jnp.where(mc_ < m, amc,
                            jnp.where(mc_ == m, jnp.minimum(am, amc), am))
            m2 = jnp.minimum(m, mc_)
            return m2, am2

        m0 = qn * 0.0 + 1e30
        a0 = (qn * 0.0).astype(jnp.int32) + _BIG_I
        _, am = lax.fori_loop(0, NCH, chunk, (m0, a0), unroll=8)
        outv = outv + (io16 == k).astype(jnp.int32) * am
        return am, outv

    am0 = (qn * 0.0).astype(jnp.int32) - 1
    io16r = lax.broadcasted_iota(jnp.int32, (SB, K), 0)
    outv0 = (io16 + io16r) * 0
    _, outv = lax.fori_loop(0, K, select, (am0, outv0))
    out_ref[0] = outv + b * N


def _knn(new_xyz, xyzT):
    return pl.pallas_call(
        _knn_body,
        grid=(B, S // SB),
        in_specs=[
            pl.BlockSpec((1, SB, 3), lambda b, s: (b, s, 0)),
            pl.BlockSpec((1, 3, N), lambda b, s: (b, 0, 0)),
        ],
        out_specs=pl.BlockSpec((1, SB, K), lambda b, s: (b, s, 0)),
        out_shape=jax.ShapeDtypeStruct((B, S, K), jnp.int32),
        scratch_shapes=[pltpu.VMEM((SB, N), jnp.float32)],
    )(new_xyz, xyzT)



def _mlp1_body(g_ref, nx_ref, w_ref, b_ref, h_ref, st_ref):
    x = g_ref[...] - nx_ref[...]
    h = jnp.dot(x, w_ref[...], preferred_element_type=jnp.float32) \
        + b_ref[...]
    h_ref[...] = h
    s = jnp.sum(h, axis=0, keepdims=True)
    q = jnp.sum(h * h, axis=0, keepdims=True)
    upd = jnp.concatenate([s, q, jnp.zeros((6, C1), jnp.float32)], axis=0)

    @pl.when(pl.program_id(0) == 0)
    def _():
        st_ref[...] = jnp.zeros_like(st_ref)

    st_ref[...] += upd


def _mlp1(gb, nxrep, w1t, b1r):
    return pl.pallas_call(
        _mlp1_body,
        grid=(ROWS_MLP // BLK_MLP,),
        in_specs=[
            pl.BlockSpec((BLK_MLP, DP), lambda i: (i, 0)),
            pl.BlockSpec((BLK_MLP, DP), lambda i: (i, 0)),
            pl.BlockSpec((DP, C1), lambda i: (0, 0)),
            pl.BlockSpec((1, C1), lambda i: (0, 0)),
        ],
        out_specs=[
            pl.BlockSpec((BLK_MLP, C1), lambda i: (i, 0)),
            pl.BlockSpec((8, C1), lambda i: (0, 0)),
        ],
        out_shape=[
            jax.ShapeDtypeStruct((ROWS_MLP, C1), jnp.float32),
            jax.ShapeDtypeStruct((8, C1), jnp.float32),
        ],
        compiler_params=pltpu.CompilerParams(
            dimension_semantics=("arbitrary",)),
    )(gb, nxrep, w1t, b1r)


def _bn_scale_shift(st, gamma, beta):
    mean = st[0:1, :] / ROWS_MLP
    var = st[1:2, :] / ROWS_MLP - mean * mean
    inv = gamma / jnp.sqrt(var + 1e-5)
    return inv, beta - mean * inv


def _mlp2_body(h_ref, st_ref, g_ref, be_ref, w_ref, b_ref, h2_ref, st2_ref):
    inv, sh = _bn_scale_shift(st_ref[...], g_ref[...], be_ref[...])
    a = jnp.maximum(h_ref[...] * inv + sh, 0.0)
    h2 = jnp.dot(a, w_ref[...], preferred_element_type=jnp.float32) \
        + b_ref[...]
    h2_ref[...] = h2
    s = jnp.sum(h2, axis=0, keepdims=True)
    q = jnp.sum(h2 * h2, axis=0, keepdims=True)
    upd = jnp.concatenate([s, q, jnp.zeros((6, C2), jnp.float32)], axis=0)

    @pl.when(pl.program_id(0) == 0)
    def _():
        st2_ref[...] = jnp.zeros_like(st2_ref)

    st2_ref[...] += upd


def _mlp2(h1, st1, g1r, be1r, w2t, b2r):
    return pl.pallas_call(
        _mlp2_body,
        grid=(ROWS_MLP // BLK_MLP,),
        in_specs=[
            pl.BlockSpec((BLK_MLP, C1), lambda i: (i, 0)),
            pl.BlockSpec((8, C1), lambda i: (0, 0)),
            pl.BlockSpec((1, C1), lambda i: (0, 0)),
            pl.BlockSpec((1, C1), lambda i: (0, 0)),
            pl.BlockSpec((C1, C2), lambda i: (0, 0)),
            pl.BlockSpec((1, C2), lambda i: (0, 0)),
        ],
        out_specs=[
            pl.BlockSpec((BLK_MLP, C2), lambda i: (i, 0)),
            pl.BlockSpec((8, C2), lambda i: (0, 0)),
        ],
        out_shape=[
            jax.ShapeDtypeStruct((ROWS_MLP, C2), jnp.float32),
            jax.ShapeDtypeStruct((8, C2), jnp.float32),
        ],
        compiler_params=pltpu.CompilerParams(
            dimension_semantics=("arbitrary",)),
    )(h1, st1, g1r, be1r, w2t, b2r)


def _mlp3_body(h_ref, st_ref, g_ref, be_ref, out_ref):
    inv, sh = _bn_scale_shift(st_ref[...], g_ref[...], be_ref[...])
    a = jnp.maximum(h_ref[...] * inv + sh, 0.0)
    a3 = a.reshape(BLK_MLP // K, K, C2)
    m = a3[:, 0, :]
    for k in range(1, K):
        m = jnp.maximum(m, a3[:, k, :])
    out_ref[...] = m


def _mlp3(h2, st2, g2r, be2r):
    return pl.pallas_call(
        _mlp3_body,
        grid=(ROWS_MLP // BLK_MLP,),
        in_specs=[
            pl.BlockSpec((BLK_MLP, C2), lambda i: (i, 0)),
            pl.BlockSpec((8, C2), lambda i: (0, 0)),
            pl.BlockSpec((1, C2), lambda i: (0, 0)),
            pl.BlockSpec((1, C2), lambda i: (0, 0)),
        ],
        out_specs=pl.BlockSpec((BLK_MLP // K, C2), lambda i: (i, 0)),
        out_shape=jax.ShapeDtypeStruct((B * S, C2), jnp.float32),
    )(h2, st2, g2r, be2r)


def _fc_body(x_ref, w1_ref, b1_ref, w2_ref, b2_ref, out_ref):
    a = jnp.maximum(
        jnp.dot(x_ref[...], w1_ref[...], preferred_element_type=jnp.float32)
        + b1_ref[...], 0.0)
    out_ref[...] = jnp.dot(a, w2_ref[...],
                           preferred_element_type=jnp.float32) + b2_ref[...]


def _fc(cls_points, wc1t, bc1r, wc2t, bc2r):
    return pl.pallas_call(
        _fc_body,
        out_shape=jax.ShapeDtypeStruct((B * G, C2), jnp.float32),
    )(cls_points, wc1t, bc1r, wc2t, bc2r)


def _sc_gather(table, idx_flat):
    return _make_sc_gather(idx_flat.shape[0])(table, idx_flat)



def kernel(xyz, points, W1, b1, g1, be1, W2, b2, g2, be2, Wc1, bc1, Wc2, bc2):
    f32 = jnp.float32
    xs = xyz[:, :, 0]
    ys = xyz[:, :, 1]
    zs = xyz[:, :, 2]
    xyzT = jnp.transpose(xyz, (0, 2, 1))
    table = jnp.concatenate(
        [xyz, points, jnp.zeros((B, N, DP - C0), f32)], axis=-1
    ).reshape(B * N, DP)

    fps_idx = _fps(xs, ys, zs)
    ga = _sc_gather(table, fps_idx.reshape(B * S))
    new_xyz = ga[:, :3].reshape(B, S, 3)

    idx = _knn(new_xyz, xyzT)
    gb = _sc_gather(table, idx.reshape(ROWS_MLP))

    nxpad = jnp.concatenate(
        [ga[:, :3], jnp.zeros((B * S, DP - 3), f32)], axis=-1)
    nxrep = jnp.repeat(nxpad, K, axis=0)

    w1t = jnp.pad(W1, ((0, 0), (0, DP - C0))).T
    h1, st1 = _mlp1(gb, nxrep, w1t, b1.reshape(1, C1))
    h2, st2 = _mlp2(h1, st1, g1.reshape(1, C1), be1.reshape(1, C1),
                    W2.T, b2.reshape(1, C2))
    sa = _mlp3(h2, st2, g2.reshape(1, C2), be2.reshape(1, C2))

    c = _fc(points[:, :G].reshape(B * G, D_FEAT), Wc1.T,
            bc1.reshape(1, C1), Wc2.T, bc2.reshape(1, C2))

    xyz_out = jnp.concatenate(
        [new_xyz, xyz[:, :G]], axis=1)
    points_out = jnp.concatenate(
        [sa.reshape(B, S, C2), c.reshape(B, G, C2)], axis=1)
    return (xyz_out, points_out)

# --- scband reference (transcript-rebuilt; emitter-appended) ---
"""Pipeline reference for scband-transition-down-15710990369320 (READ-ONLY COPY).

The authoritative reference and input builder live on the scoring server;
editing this copy changes nothing except your own understanding.
"""

import jax, jax.numpy as jnp
import numpy as np

K_NPOINT = 1024
G = 16
NNEIGHBOR = 16
CHANNELS = [35, 64, 64]


def square_distance(src, dst):
    # ||src - dst||^2 pairwise: [B, M, N]
    return (jnp.sum(src ** 2, -1)[:, :, None]
            + jnp.sum(dst ** 2, -1)[:, None, :]
            - 2.0 * jnp.einsum('bmc,bnc->bmn', src, dst))


def farthest_point_sample(xyz, npoint):
    B, N, _ = xyz.shape

    def body(i, state):
        centroids, distance, farthest = state
        centroids = centroids.at[:, i].set(farthest)
        centroid = xyz[jnp.arange(B), farthest][:, None, :]  # [B,1,3]
        dist = jnp.sum((xyz - centroid) ** 2, -1)
        distance = jnp.minimum(distance, dist)
        farthest = jnp.argmax(distance, -1).astype(jnp.int32)
        return (centroids, distance, farthest)

    centroids = jnp.zeros((B, npoint), dtype=jnp.int32)
    distance = jnp.full((B, N), 1e10, dtype=xyz.dtype)
    farthest = jnp.zeros((B,), dtype=jnp.int32)  # deterministic start (torch uses randint)
    centroids, _, _ = jax.lax.fori_loop(0, npoint, body, (centroids, distance, farthest))
    return centroids


def index_points(points, idx):
    B = points.shape[0]
    batch = jnp.arange(B).reshape((B,) + (1,) * (idx.ndim - 1))
    return points[batch, idx]


def batchnorm(x, gamma, beta, eps=1e-5):
    # training-mode BatchNorm2d over [B, S, K, C] -> stats over (B, S, K)
    mean = jnp.mean(x, axis=(0, 1, 2), keepdims=True)
    var = jnp.mean((x - mean) ** 2, axis=(0, 1, 2), keepdims=True)
    return gamma * (x - mean) / jnp.sqrt(var + eps) + beta


def setup_inputs(seed: int = 0) -> dict:
    key = jax.random.key(seed)
    ks = jax.random.split(key, 8)
    B, N = 8, 4096
    c0, c1, c2 = CHANNELS
    d = c0 - 3
    inp = {}
    inp['xyz'] = jax.random.normal(ks[0], (B, N, 3), dtype=jnp.float32)
    inp['points'] = jax.random.normal(ks[1], (B, N, d), dtype=jnp.float32)
    # PointNetSetAbstraction mlp params (1x1 Conv2d == per-point linear) + BN affine
    inp['W1'] = jax.random.normal(ks[2], (c1, c0), dtype=jnp.float32) * 0.05
    inp['b1'] = jnp.zeros((c1,), dtype=jnp.float32)
    inp['g1'] = jnp.ones((c1,), dtype=jnp.float32)
    inp['be1'] = jnp.zeros((c1,), dtype=jnp.float32)
    inp['W2'] = jax.random.normal(ks[3], (c2, c1), dtype=jnp.float32) * 0.05
    inp['b2'] = jnp.zeros((c2,), dtype=jnp.float32)
    inp['g2'] = jnp.ones((c2,), dtype=jnp.float32)
    inp['be2'] = jnp.zeros((c2,), dtype=jnp.float32)
    # fc_cls: Linear(c0-3, c1) -> ReLU -> Linear(c1, c2)
    inp['Wc1'] = jax.random.normal(ks[4], (c1, d), dtype=jnp.float32) * 0.05
    inp['bc1'] = jnp.zeros((c1,), dtype=jnp.float32)
    inp['Wc2'] = jax.random.normal(ks[5], (c2, c1), dtype=jnp.float32) * 0.05
    inp['bc2'] = jnp.zeros((c2,), dtype=jnp.float32)
    return inp


def reference(xyz, points, W1, b1, g1, be1, W2, b2, g2, be2, Wc1, bc1, Wc2, bc2):
    cls_xyz = xyz[:, :G]
    cls_points = points[:, :G]
    # --- PointNetSetAbstraction (group_all=False, knn=True) ---
    fps_idx = farthest_point_sample(jax.lax.stop_gradient(xyz), K_NPOINT)  # [B, S]
    new_xyz = index_points(xyz, fps_idx)  # [B, S, 3]
    dists = square_distance(new_xyz, xyz)  # [B, S, N]
    idx = jnp.argsort(dists, axis=-1)[:, :, :NNEIGHBOR]  # [B, S, K]
    grouped_xyz = index_points(xyz, idx)  # [B, S, K, 3]
    grouped_xyz_norm = grouped_xyz - new_xyz[:, :, None, :]
    grouped_points = index_points(points, idx)  # [B, S, K, d]
    new_points = jnp.concatenate([grouped_xyz_norm, grouped_points], axis=-1)  # [B,S,K,c0]
    h = jnp.einsum('bskc,oc->bsko', new_points, W1) + b1
    h = jax.nn.relu(batchnorm(h, g1, be1))
    h = jnp.einsum('bskc,oc->bsko', h, W2) + b2
    h = jax.nn.relu(batchnorm(h, g2, be2))
    sa_points = jnp.max(h, axis=2)  # [B, S, c2]
    # --- fc_cls on class tokens ---
    c = jax.nn.relu(jnp.einsum('bgc,oc->bgo', cls_points, Wc1) + bc1)
    c = jnp.einsum('bgc,oc->bgo', c, Wc2) + bc2
    xyz_out = jnp.concatenate([new_xyz, cls_xyz], axis=1)
    points_out = jnp.concatenate([sa_points, c], axis=1)
    return (xyz_out, points_out)

if __name__ == "__main__":
    import jax
    _d = setup_inputs()
    print(jax.jit(kernel)(*tuple(_d.values())))

</pallas_src>

<mosaic_0001>
#map = affine_map<(d0, d1) -> (0, 0)>
#map1 = affine_map<(d0, d1) -> (0)>
module attributes {stable_mosaic.version = 14 : i64} {
  func.func @gather_kernel(%arg0: i32, %arg1: i32, %arg2: memref<32768x48xf32, #tpu.memory_space<hbm>>, %arg3: memref<8192xi32, #tpu.memory_space<hbm>>, %arg4: memref<8192x48xf32, #tpu.memory_space<hbm>>, %arg5: memref<128xi32, #tpu.memory_space<vmem>>, %arg6: memref<128x48xf32, #tpu.memory_space<vmem>>, %arg7: memref<!tpu.dma_semaphore, #tpu.memory_space<semaphore_mem>>) attributes {dimension_semantics = [#tpu.dimension_semantics<core_parallel>, #tpu.dimension_semantics<subcore_parallel>], iteration_bounds = array<i64: 2, 16>, scalar_prefetch = 0 : i64, scratch_operands = 3 : i64, tpu.core_type = #tpu.core_type<sc_vector_subcore>, window_params = [{transform_indices = #map}, {transform_indices = #map1}, {transform_indices = #map}]} {
    %mul3A = arith.constant 2 : i32
    %mul3A_0 = arith.muli %arg1, %mul3A : i32
    %add3A = arith.addi %mul3A_0, %arg0 : i32
    %mul3A_1 = arith.constant 256 : i32
    %mul3A_2 = arith.muli %add3A, %mul3A_1 : i32
    %scan3A = arith.constant 0 : i32
    %scan3A_3 = arith.constant 0 : i32
    %scan3A_4 = arith.constant 2 : i32
    %scan3A_5 = arith.addi %scan3A_3, %scan3A_4 : i32
    %scan3A_6 = arith.constant 1 : i32
    scf.for %scan3A_8 = %scan3A_3 to %scan3A_5 step %scan3A_6  : i32 {
      %mul3A_9 = arith.constant 128 : i32
      %mul3A_10 = arith.muli %scan3A_8, %mul3A_9 : i32
      %add3A_11 = arith.addi %mul3A_2, %mul3A_10 : i32
      "tpu.region"() ({
        %run_scoped3A = tpu.sem_alloc : memref<!tpu.dma_semaphore, #tpu.memory_space<semaphore_mem>>
        %dma_start3A_16 = tpu.memref_slice %arg3[%add3A_11] : memref<8192xi32, #tpu.memory_space<hbm>> -> memref<128xi32, #tpu.memory_space<hbm>>
        %dma_start3A_17 = tpu.memref_slice %arg3[%add3A_11] : memref<8192xi32, #tpu.memory_space<hbm>> -> memref<128xi32, #tpu.memory_space<hbm>>
        tpu.enqueue_dma source(%dma_start3A_17 : memref<128xi32, #tpu.memory_space<hbm>>) target(%arg5 : memref<128xi32, #tpu.memory_space<vmem>>) target_semaphore(%run_scoped3A : memref<!tpu.dma_semaphore, #tpu.memory_space<semaphore_mem>>)
        %dma_wait3A_18 = tpu.memref_slice %arg3[%add3A_11] : memref<8192xi32, #tpu.memory_space<hbm>> -> memref<128xi32, #tpu.memory_space<hbm>>
        %dma_wait3A_19 = tpu.memref_slice %arg3[%add3A_11] : memref<8192xi32, #tpu.memory_space<hbm>> -> memref<128xi32, #tpu.memory_space<hbm>>
        tpu.wait_dma2 semaphore(%run_scoped3A : memref<!tpu.dma_semaphore, #tpu.memory_space<semaphore_mem>>) src(%dma_wait3A_19 : memref<128xi32, #tpu.memory_space<hbm>>) dst(%arg5 : memref<128xi32, #tpu.memory_space<vmem>>)
        tpu.yield
      }) : () -> ()
      %dma_start3A = arith.constant 0 : i32
      %dma_start3A_12 = arith.constant 0 : i32
      %dma_start3A_13 = tpu.memref_slice %arg2[%dma_start3A, %dma_start3A_12] : memref<32768x48xf32, #tpu.memory_space<hbm>> -> memref<32768x48xf32, #tpu.memory_space<hbm>>
      tpu.enqueue_indirect_dma source(%dma_start3A_13 : memref<32768x48xf32, #tpu.memory_space<hbm>>) target(%arg6 : memref<128x48xf32, #tpu.memory_space<vmem>>) offsets(%arg5 : memref<128xi32, #tpu.memory_space<vmem>>) semaphore(%arg7 : memref<!tpu.dma_semaphore, #tpu.memory_space<semaphore_mem>>)
      %dma_wait3A = arith.constant 0 : i32
      %dma_wait3A_14 = arith.constant 0 : i32
      %dma_wait3A_15 = tpu.memref_slice %arg2[%dma_wait3A, %dma_wait3A_14] : memref<32768x48xf32, #tpu.memory_space<hbm>> -> memref<32768x48xf32, #tpu.memory_space<hbm>>
      tpu.wait_indirect_dma semaphore(%arg7 : memref<!tpu.dma_semaphore, #tpu.memory_space<semaphore_mem>>) src(%dma_wait3A_15 : memref<32768x48xf32, #tpu.memory_space<hbm>>) dst(%arg6 : memref<128x48xf32, #tpu.memory_space<vmem>>)
      "tpu.region"() ({
        %run_scoped3A = tpu.sem_alloc : memref<!tpu.dma_semaphore, #tpu.memory_space<semaphore_mem>>
        %dma_start3A_16 = arith.constant 0 : i32
        %dma_start3A_17 = tpu.memref_slice %arg4[%add3A_11, %dma_start3A_16] : memref<8192x48xf32, #tpu.memory_space<hbm>> -> memref<128x48xf32, #tpu.memory_space<hbm>>
        %dma_start3A_18 = arith.constant 0 : i32
        %dma_start3A_19 = tpu.memref_slice %arg4[%add3A_11, %dma_start3A_18] : memref<8192x48xf32, #tpu.memory_space<hbm>> -> memref<128x48xf32, #tpu.memory_space<hbm>>
        tpu.enqueue_dma source(%arg6 : memref<128x48xf32, #tpu.memory_space<vmem>>) target(%dma_start3A_19 : memref<128x48xf32, #tpu.memory_space<hbm>>) target_semaphore(%run_scoped3A : memref<!tpu.dma_semaphore, #tpu.memory_space<semaphore_mem>>)
        %dma_wait3A_20 = arith.constant 0 : i32
        %dma_wait3A_21 = tpu.memref_slice %arg4[%add3A_11, %dma_wait3A_20] : memref<8192x48xf32, #tpu.memory_space<hbm>> -> memref<128x48xf32, #tpu.memory_space<hbm>>
        %dma_wait3A_22 = arith.constant 0 : i32
        %dma_wait3A_23 = tpu.memref_slice %arg4[%add3A_11, %dma_wait3A_22] : memref<8192x48xf32, #tpu.memory_space<hbm>> -> memref<128x48xf32, #tpu.memory_space<hbm>>
        tpu.wait_dma2 semaphore(%run_scoped3A : memref<!tpu.dma_semaphore, #tpu.memory_space<semaphore_mem>>) src(%arg6 : memref<128x48xf32, #tpu.memory_space<vmem>>) dst(%dma_wait3A_23 : memref<128x48xf32, #tpu.memory_space<hbm>>)
        tpu.yield
      }) : () -> ()
    }
    %scan3A_7 = arith.constant 2 : i32
    return
  }
}

#map = affine_map<(d0, d1) -> (0, 0)>
#map1 = affine_map<(d0, d1) -> (0)>
module attributes {stable_mosaic.version = 14 : i64} {
  func.func @gather_kernel(%arg0: i32, %arg1: i32, %arg2: memref<32768x48xf32, #tpu.memory_space<hbm>>, %arg3: memref<131072xi32, #tpu.memory_space<hbm>>, %arg4: memref<131072x48xf32, #tpu.memory_space<hbm>>, %arg5: memref<128xi32, #tpu.memory_space<vmem>>, %arg6: memref<128x48xf32, #tpu.memory_space<vmem>>, %arg7: memref<!tpu.dma_semaphore, #tpu.memory_space<semaphore_mem>>) attributes {dimension_semantics = [#tpu.dimension_semantics<core_parallel>, #tpu.dimension_semantics<subcore_parallel>], iteration_bounds = array<i64: 2, 16>, scalar_prefetch = 0 : i64, scratch_operands = 3 : i64, tpu.core_type = #tpu.core_type<sc_vector_subcore>, window_params = [{transform_indices = #map}, {transform_indices = #map1}, {transform_indices = #map}]} {
    %mul3A = arith.constant 2 : i32
    %mul3A_0 = arith.muli %arg1, %mul3A : i32
    %add3A = arith.addi %mul3A_0, %arg0 : i32
    %mul3A_1 = arith.constant 4096 : i32
    %mul3A_2 = arith.muli %add3A, %mul3A_1 : i32
    %scan3A = arith.constant 0 : i32
    %scan3A_3 = arith.constant 0 : i32
    %scan3A_4 = arith.constant 32 : i32
    %scan3A_5 = arith.addi %scan3A_3, %scan3A_4 : i32
    %scan3A_6 = arith.constant 1 : i32
    scf.for %scan3A_8 = %scan3A_3 to %scan3A_5 step %scan3A_6  : i32 {
      %mul3A_9 = arith.constant 128 : i32
      %mul3A_10 = arith.muli %scan3A_8, %mul3A_9 : i32
      %add3A_11 = arith.addi %mul3A_2, %mul3A_10 : i32
      "tpu.region"() ({
        %run_scoped3A = tpu.sem_alloc : memref<!tpu.dma_semaphore, #tpu.memory_space<semaphore_mem>>
        %dma_start3A_16 = tpu.memref_slice %arg3[%add3A_11] : memref<131072xi32, #tpu.memory_space<hbm>> -> memref<128xi32, #tpu.memory_space<hbm>>
        %dma_start3A_17 = tpu.memref_slice %arg3[%add3A_11] : memref<131072xi32, #tpu.memory_space<hbm>> -> memref<128xi32, #tpu.memory_space<hbm>>
        tpu.enqueue_dma source(%dma_start3A_17 : memref<128xi32, #tpu.memory_space<hbm>>) target(%arg5 : memref<128xi32, #tpu.memory_space<vmem>>) target_semaphore(%run_scoped3A : memref<!tpu.dma_semaphore, #tpu.memory_space<semaphore_mem>>)
        %dma_wait3A_18 = tpu.memref_slice %arg3[%add3A_11] : memref<131072xi32, #tpu.memory_space<hbm>> -> memref<128xi32, #tpu.memory_space<hbm>>
        %dma_wait3A_19 = tpu.memref_slice %arg3[%add3A_11] : memref<131072xi32, #tpu.memory_space<hbm>> -> memref<128xi32, #tpu.memory_space<hbm>>
        tpu.wait_dma2 semaphore(%run_scoped3A : memref<!tpu.dma_semaphore, #tpu.memory_space<semaphore_mem>>) src(%dma_wait3A_19 : memref<128xi32, #tpu.memory_space<hbm>>) dst(%arg5 : memref<128xi32, #tpu.memory_space<vmem>>)
        tpu.yield
      }) : () -> ()
      %dma_start3A = arith.constant 0 : i32
      %dma_start3A_12 = arith.constant 0 : i32
      %dma_start3A_13 = tpu.memref_slice %arg2[%dma_start3A, %dma_start3A_12] : memref<32768x48xf32, #tpu.memory_space<hbm>> -> memref<32768x48xf32, #tpu.memory_space<hbm>>
      tpu.enqueue_indirect_dma source(%dma_start3A_13 : memref<32768x48xf32, #tpu.memory_space<hbm>>) target(%arg6 : memref<128x48xf32, #tpu.memory_space<vmem>>) offsets(%arg5 : memref<128xi32, #tpu.memory_space<vmem>>) semaphore(%arg7 : memref<!tpu.dma_semaphore, #tpu.memory_space<semaphore_mem>>)
      %dma_wait3A = arith.constant 0 : i32
      %dma_wait3A_14 = arith.constant 0 : i32
      %dma_wait3A_15 = tpu.memref_slice %arg2[%dma_wait3A, %dma_wait3A_14] : memref<32768x48xf32, #tpu.memory_space<hbm>> -> memref<32768x48xf32, #tpu.memory_space<hbm>>
      tpu.wait_indirect_dma semaphore(%arg7 : memref<!tpu.dma_semaphore, #tpu.memory_space<semaphore_mem>>) src(%dma_wait3A_15 : memref<32768x48xf32, #tpu.memory_space<hbm>>) dst(%arg6 : memref<128x48xf32, #tpu.memory_space<vmem>>)
      "tpu.region"() ({
        %run_scoped3A = tpu.sem_alloc : memref<!tpu.dma_semaphore, #tpu.memory_space<semaphore_mem>>
        %dma_start3A_16 = arith.constant 0 : i32
        %dma_start3A_17 = tpu.memref_slice %arg4[%add3A_11, %dma_start3A_16] : memref<131072x48xf32, #tpu.memory_space<hbm>> -> memref<128x48xf32, #tpu.memory_space<hbm>>
        %dma_start3A_18 = arith.constant 0 : i32
        %dma_start3A_19 = tpu.memref_slice %arg4[%add3A_11, %dma_start3A_18] : memref<131072x48xf32, #tpu.memory_space<hbm>> -> memref<128x48xf32, #tpu.memory_space<hbm>>
        tpu.enqueue_dma source(%arg6 : memref<128x48xf32, #tpu.memory_space<vmem>>) target(%dma_start3A_19 : memref<128x48xf32, #tpu.memory_space<hbm>>) target_semaphore(%run_scoped3A : memref<!tpu.dma_semaphore, #tpu.memory_space<semaphore_mem>>)
        %dma_wait3A_20 = arith.constant 0 : i32
        %dma_wait3A_21 = tpu.memref_slice %arg4[%add3A_11, %dma_wait3A_20] : memref<131072x48xf32, #tpu.memory_space<hbm>> -> memref<128x48xf32, #tpu.memory_space<hbm>>
        %dma_wait3A_22 = arith.constant 0 : i32
        %dma_wait3A_23 = tpu.memref_slice %arg4[%add3A_11, %dma_wait3A_22] : memref<131072x48xf32, #tpu.memory_space<hbm>> -> memref<128x48xf32, #tpu.memory_space<hbm>>
        tpu.wait_dma2 semaphore(%run_scoped3A : memref<!tpu.dma_semaphore, #tpu.memory_space<semaphore_mem>>) src(%arg6 : memref<128x48xf32, #tpu.memory_space<vmem>>) dst(%dma_wait3A_23 : memref<128x48xf32, #tpu.memory_space<hbm>>)
        tpu.yield
      }) : () -> ()
    }
    %scan3A_7 = arith.constant 32 : i32
    return
  }
}

module attributes {stable_mosaic.version = 14 : i64} {
  func.func @_fps_body(%arg0: memref<8x4096xf32, #tpu.memory_space<vmem>>, %arg1: memref<8x4096xf32, #tpu.memory_space<vmem>>, %arg2: memref<8x4096xf32, #tpu.memory_space<vmem>>, %arg3: memref<8x1024xi32, #tpu.memory_space<vmem>>) attributes {dimension_semantics = [], scalar_prefetch = 0 : i64, scratch_operands = 0 : i64, tpu.core_type = #tpu.core_type<tc>} {
    %get3A = arith.constant 0 : index
    %get3A_0 = arith.constant 0 : index
    %get3A_1 = vector.load %arg0[%get3A, %get3A_0] : memref<8x4096xf32, #tpu.memory_space<vmem>>, vector<8x4096xf32>
    %get3A_2 = arith.constant 0 : index
    %get3A_3 = arith.constant 0 : index
    %get3A_4 = vector.load %arg1[%get3A_2, %get3A_3] : memref<8x4096xf32, #tpu.memory_space<vmem>>, vector<8x4096xf32>
    %get3A_5 = arith.constant 0 : index
    %get3A_6 = arith.constant 0 : index
    %get3A_7 = vector.load %arg2[%get3A_5, %get3A_6] : memref<8x4096xf32, #tpu.memory_space<vmem>>, vector<8x4096xf32>
    %iota3A = tpu.iota {dimensions = array<i32: 1>} : vector<8x4096xi32>
    %iota3A_8 = tpu.iota {dimensions = array<i32: 1>} : vector<8x1024xi32>
    %iota3A_9 = tpu.iota {dimensions = array<i32: 0>} : vector<8x1024xi32>
    %get3A_10 = arith.constant 0 : index
    %get3A_11 = arith.constant 0 : index
    %get3A_12 = vector.load %arg0[%get3A_10, %get3A_11] : memref<8x4096xf32, #tpu.memory_space<vmem>>, vector<8x1xf32>
    %mul3A = arith.constant 0.000000e+00 : f32
    %mul3A_13 = vector.broadcast %mul3A : f32 to vector<8x1xf32>
    %mul3A_14 = arith.mulf %get3A_12, %mul3A_13 : vector<8x1xf32>
    %convert_element_type3A = arith.fptosi %mul3A_14 : vector<8x1xf32> to vector<8x1xi32>
    %mul3A_15 = arith.constant 0.000000e+00 : f32
    %mul3A_16 = vector.broadcast %mul3A_15 : f32 to vector<8x4096xf32>
    %mul3A_17 = arith.mulf %get3A_1, %mul3A_16 : vector<8x4096xf32>
    %add3A = arith.constant 1.000000e+10 : f32
    %add3A_18 = vector.broadcast %add3A : f32 to vector<8x4096xf32>
    %add3A_19 = arith.addf %mul3A_17, %add3A_18 : vector<8x4096xf32>
    %add3A_20 = arith.addi %iota3A_8, %iota3A_9 : vector<8x1024xi32>
    %mul3A_21 = arith.constant 0 : i32
    %mul3A_22 = vector.broadcast %mul3A_21 : i32 to vector<8x1024xi32>
    %mul3A_23 = arith.muli %add3A_20, %mul3A_22 : vector<8x1024xi32>
    %scan3A = arith.constant 0 : i32
    %scan3A_24 = arith.constant 1024 : i32
    %scan3A_25 = arith.addi %scan3A, %scan3A_24 : i32
    %scan3A_26 = arith.constant 1 : i32
    %scan3A_27:3 = scf.for %scan3A_35 = %scan3A to %scan3A_25 step %scan3A_26 iter_args(%scan3A_36 = %convert_element_type3A, %scan3A_37 = %add3A_19, %scan3A_38 = %mul3A_23) -> (vector<8x1xi32>, vector<8x4096xf32>, vector<8x1024xi32>)  : i32 {
      %eq3A = vector.broadcast %scan3A_35 : i32 to vector<8x1024xi32>
      %eq3A_39 = arith.cmpi eq, %iota3A_8, %eq3A : vector<8x1024xi32>
      %convert_element_type3A_40 = arith.extui %eq3A_39 : vector<8x1024xi1> to vector<8x1024xi32>
      %mul3A_41 = vector.broadcast %scan3A_36 : vector<8x1xi32> to vector<8x1024xi32>
      %mul3A_42 = arith.muli %convert_element_type3A_40, %mul3A_41 : vector<8x1024xi32>
      %add3A_43 = arith.addi %scan3A_38, %mul3A_42 : vector<8x1024xi32>
      %eq3A_44 = vector.broadcast %scan3A_36 : vector<8x1xi32> to vector<8x4096xi32>
      %eq3A_45 = arith.cmpi eq, %iota3A, %eq3A_44 : vector<8x4096xi32>
      %convert_element_type3A_46 = arith.extui %eq3A_45 : vector<8x4096xi1> to vector<8x4096xi32>
      %convert_element_type3A_47 = arith.sitofp %convert_element_type3A_46 : vector<8x4096xi32> to vector<8x4096xf32>
      %mul3A_48 = arith.mulf %convert_element_type3A_47, %get3A_1 : vector<8x4096xf32>
      %reduce_sum3A = arith.constant dense<0.000000e+00> : vector<8xf32>
      %reduce_sum3A_49 = vector.multi_reduction <add>, %mul3A_48, %reduce_sum3A [1] : vector<8x4096xf32> to vector<8xf32>
      %broadcast_in_dim3A = vector.shape_cast %reduce_sum3A_49 : vector<8xf32> to vector<8x1xf32>
      %mul3A_50 = arith.mulf %convert_element_type3A_47, %get3A_4 : vector<8x4096xf32>
      %reduce_sum3A_51 = arith.constant dense<0.000000e+00> : vector<8xf32>
      %reduce_sum3A_52 = vector.multi_reduction <add>, %mul3A_50, %reduce_sum3A_51 [1] : vector<8x4096xf32> to vector<8xf32>
      %broadcast_in_dim3A_53 = vector.shape_cast %reduce_sum3A_52 : vector<8xf32> to vector<8x1xf32>
      %mul3A_54 = arith.mulf %convert_element_type3A_47, %get3A_7 : vector<8x4096xf32>
      %reduce_sum3A_55 = arith.constant dense<0.000000e+00> : vector<8xf32>
      %reduce_sum3A_56 = vector.multi_reduction <add>, %mul3A_54, %reduce_sum3A_55 [1] : vector<8x4096xf32> to vector<8xf32>
      %broadcast_in_dim3A_57 = vector.shape_cast %reduce_sum3A_56 : vector<8xf32> to vector<8x1xf32>
      %sub3A = vector.broadcast %broadcast_in_dim3A : vector<8x1xf32> to vector<8x4096xf32>
      %sub3A_58 = arith.subf %get3A_1, %sub3A : vector<8x4096xf32>
      %sub3A_59 = vector.broadcast %broadcast_in_dim3A_53 : vector<8x1xf32> to vector<8x4096xf32>
      %sub3A_60 = arith.subf %get3A_4, %sub3A_59 : vector<8x4096xf32>
      %sub3A_61 = vector.broadcast %broadcast_in_dim3A_57 : vector<8x1xf32> to vector<8x4096xf32>
      %sub3A_62 = arith.subf %get3A_7, %sub3A_61 : vector<8x4096xf32>
      %mul3A_63 = arith.mulf %sub3A_58, %sub3A_58 : vector<8x4096xf32>
      %mul3A_64 = arith.mulf %sub3A_60, %sub3A_60 : vector<8x4096xf32>
      %add3A_65 = arith.addf %mul3A_63, %mul3A_64 : vector<8x4096xf32>
      %mul3A_66 = arith.mulf %sub3A_62, %sub3A_62 : vector<8x4096xf32>
      %add3A_67 = arith.addf %add3A_65, %mul3A_66 : vector<8x4096xf32>
      %min3A = arith.minimumf %scan3A_37, %add3A_67 : vector<8x4096xf32>
      %reduce_max3A = arith.constant dense<0xFF800000> : vector<8xf32>
      %reduce_max3A_68 = vector.multi_reduction <maximumf>, %min3A, %reduce_max3A [1] : vector<8x4096xf32> to vector<8xf32>
      %broadcast_in_dim3A_69 = vector.shape_cast %reduce_max3A_68 : vector<8xf32> to vector<8x1xf32>
      %ne3A = vector.broadcast %broadcast_in_dim3A_69 : vector<8x1xf32> to vector<8x4096xf32>
      %ne3A_70 = arith.cmpf one, %min3A, %ne3A : vector<8x4096xf32>
      %convert_element_type3A_71 = arith.extui %ne3A_70 : vector<8x4096xi1> to vector<8x4096xi32>
      %mul3A_72 = arith.constant 1073741824 : i32
      %mul3A_73 = vector.broadcast %mul3A_72 : i32 to vector<8x4096xi32>
      %mul3A_74 = arith.muli %convert_element_type3A_71, %mul3A_73 : vector<8x4096xi32>
      %add3A_75 = arith.addi %iota3A, %mul3A_74 : vector<8x4096xi32>
      %reduce_min3A = arith.constant dense<2147483647> : vector<8xi32>
      %reduce_min3A_76 = vector.multi_reduction <minsi>, %add3A_75, %reduce_min3A [1] : vector<8x4096xi32> to vector<8xi32>
      %broadcast_in_dim3A_77 = vector.shape_cast %reduce_min3A_76 : vector<8xi32> to vector<8x1xi32>
      scf.yield %broadcast_in_dim3A_77, %min3A, %add3A_43 : vector<8x1xi32>, vector<8x4096xf32>, vector<8x1024xi32>
    }
    %scan3A_28 = arith.constant 1024 : i32
    %mul3A_29 = arith.constant 4096 : i32
    %mul3A_30 = vector.broadcast %mul3A_29 : i32 to vector<8x1024xi32>
    %mul3A_31 = arith.muli %iota3A_9, %mul3A_30 : vector<8x1024xi32>
    %add3A_32 = arith.addi %scan3A_27#2, %mul3A_31 : vector<8x1024xi32>
    %swap3A = arith.constant 0 : index
    %swap3A_33 = arith.constant 0 : index
    %swap3A_34 = vector.load %arg3[%swap3A, %swap3A_33] : memref<8x1024xi32, #tpu.memory_space<vmem>>, vector<8x1024xi32>
    tpu.vector_store %arg3[%swap3A, %swap3A_33], %add3A_32 {strides = array<i32>} : memref<8x1024xi32, #tpu.memory_space<vmem>>, vector<8x1024xi32>,
    return
  }
}

module attributes {stable_mosaic.version = 14 : i64} {
  func.func @_knn_body(%arg0: i32, %arg1: i32, %arg2: memref<1x256x3xf32, #tpu.memory_space<vmem>>, %arg3: memref<1x3x4096xf32, #tpu.memory_space<vmem>>, %arg4: memref<1x256x16xi32, #tpu.memory_space<vmem>>, %arg5: memref<256x4096xf32, #tpu.memory_space<vmem>>) attributes {dimension_semantics = [#tpu.dimension_semantics<arbitrary>, #tpu.dimension_semantics<arbitrary>], iteration_bounds = array<i64: 8, 4>, scalar_prefetch = 0 : i64, scratch_operands = 1 : i64, tpu.core_type = #tpu.core_type<tc>, window_params = [{transform_indices = @transform_0, window_bounds = array<i64: 1, 256, 3>}, {transform_indices = @transform_1, window_bounds = array<i64: 1, 3, 4096>}, {transform_indices = @transform_2, window_bounds = array<i64: 1, 256, 16>}]} {
    %get3A = arith.constant 0 : index
    %get3A_0 = arith.constant 0 : index
    %get3A_1 = arith.constant 0 : index
    %get3A_2 = vector.load %arg2[%get3A, %get3A_0, %get3A_1] : memref<1x256x3xf32, #tpu.memory_space<vmem>>, vector<1x256x3xf32>
    %get3A_3 = vector.shape_cast %get3A_2 : vector<1x256x3xf32> to vector<256x3xf32>
    %mul3A = arith.mulf %get3A_3, %get3A_3 : vector<256x3xf32>
    %slice3A = vector.extract_strided_slice %mul3A {offsets = [0, 0], sizes = [256, 1], strides = [1, 1]} : vector<256x3xf32> to vector<256x1xf32>
    %slice3A_4 = vector.extract_strided_slice %mul3A {offsets = [0, 1], sizes = [256, 1], strides = [1, 1]} : vector<256x3xf32> to vector<256x1xf32>
    %add3A = arith.addf %slice3A, %slice3A_4 : vector<256x1xf32>
    %slice3A_5 = vector.extract_strided_slice %mul3A {offsets = [0, 2], sizes = [256, 1], strides = [1, 1]} : vector<256x3xf32> to vector<256x1xf32>
    %add3A_6 = arith.addf %add3A, %slice3A_5 : vector<256x1xf32>
    %convert_element_type3A = arith.truncf %get3A_3 : vector<256x3xf32> to vector<256x3xbf16>
    %convert_element_type3A_7 = arith.extf %convert_element_type3A : vector<256x3xbf16> to vector<256x3xf32>
    %iota3A = tpu.iota {dimensions = array<i32: 1>} : vector<256x128xi32>
    %scan3A = arith.constant 0 : i32
    %scan3A_8 = arith.constant 32 : i32
    %scan3A_9 = arith.addi %scan3A, %scan3A_8 : i32
    %scan3A_10 = arith.constant 8 : i32
    scf.for %scan3A_39 = %scan3A to %scan3A_9 step %scan3A_10  : i32 {
      %mul3A_40 = arith.constant 128 : i32
      %mul3A_41 = arith.muli %scan3A_39, %mul3A_40 : i32
      %multiple_of3A = tpu.assume_multiple %mul3A_41, 128 : i32
      %get3A_42 = arith.constant 0 : index
      %get3A_43 = arith.constant 0 : index
      %get3A_44 = arith.index_cast %multiple_of3A : i32 to index
      %get3A_45 = vector.load %arg3[%get3A_42, %get3A_43, %get3A_44] : memref<1x3x4096xf32, #tpu.memory_space<vmem>>, vector<1x3x128xf32>
      %get3A_46 = vector.shape_cast %get3A_45 : vector<1x3x128xf32> to vector<3x128xf32>
      %mul3A_47 = arith.mulf %get3A_46, %get3A_46 : vector<3x128xf32>
      %slice3A_48 = vector.extract_strided_slice %mul3A_47 {offsets = [0, 0], sizes = [1, 128], strides = [1, 1]} : vector<3x128xf32> to vector<1x128xf32>
      %slice3A_49 = vector.extract_strided_slice %mul3A_47 {offsets = [1, 0], sizes = [1, 128], strides = [1, 1]} : vector<3x128xf32> to vector<1x128xf32>
      %add3A_50 = arith.addf %slice3A_48, %slice3A_49 : vector<1x128xf32>
      %slice3A_51 = vector.extract_strided_slice %mul3A_47 {offsets = [2, 0], sizes = [1, 128], strides = [1, 1]} : vector<3x128xf32> to vector<1x128xf32>
      %add3A_52 = arith.addf %add3A_50, %slice3A_51 : vector<1x128xf32>
      %convert_element_type3A_53 = arith.truncf %get3A_46 : vector<3x128xf32> to vector<3x128xbf16>
      %convert_element_type3A_54 = arith.extf %convert_element_type3A_53 : vector<3x128xbf16> to vector<3x128xf32>
      %slice3A_55 = vector.extract_strided_slice %convert_element_type3A_7 {offsets = [0, 0], sizes = [256, 1], strides = [1, 1]} : vector<256x3xf32> to vector<256x1xf32>
      %slice3A_56 = vector.extract_strided_slice %convert_element_type3A_54 {offsets = [0, 0], sizes = [1, 128], strides = [1, 1]} : vector<3x128xf32> to vector<1x128xf32>
      %mul3A_57 = vector.broadcast %slice3A_55 : vector<256x1xf32> to vector<256x128xf32>
      %mul3A_58 = vector.broadcast %slice3A_56 : vector<1x128xf32> to vector<256x128xf32>
      %mul3A_59 = arith.mulf %mul3A_57, %mul3A_58 : vector<256x128xf32>
      %slice3A_60 = vector.extract_strided_slice %convert_element_type3A_7 {offsets = [0, 1], sizes = [256, 1], strides = [1, 1]} : vector<256x3xf32> to vector<256x1xf32>
      %slice3A_61 = vector.extract_strided_slice %convert_element_type3A_54 {offsets = [1, 0], sizes = [1, 128], strides = [1, 1]} : vector<3x128xf32> to vector<1x128xf32>
      %mul3A_62 = vector.broadcast %slice3A_60 : vector<256x1xf32> to vector<256x128xf32>
      %mul3A_63 = vector.broadcast %slice3A_61 : vector<1x128xf32> to vector<256x128xf32>
      %mul3A_64 = arith.mulf %mul3A_62, %mul3A_63 : vector<256x128xf32>
      %add3A_65 = arith.addf %mul3A_59, %mul3A_64 : vector<256x128xf32>
      %slice3A_66 = vector.extract_strided_slice %convert_element_type3A_7 {offsets = [0, 2], sizes = [256, 1], strides = [1, 1]} : vector<256x3xf32> to vector<256x1xf32>
      %slice3A_67 = vector.extract_strided_slice %convert_element_type3A_54 {offsets = [2, 0], sizes = [1, 128], strides = [1, 1]} : vector<3x128xf32> to vector<1x128xf32>
      %mul3A_68 = vector.broadcast %slice3A_66 : vector<256x1xf32> to vector<256x128xf32>
      %mul3A_69 = vector.broadcast %slice3A_67 : vector<1x128xf32> to vector<256x128xf32>
      %mul3A_70 = arith.mulf %mul3A_68, %mul3A_69 : vector<256x128xf32>
      %add3A_71 = arith.addf %add3A_65, %mul3A_70 : vector<256x128xf32>
      %add3A_72 = vector.broadcast %add3A_6 : vector<256x1xf32> to vector<256x128xf32>
      %add3A_73 = vector.broadcast %add3A_52 : vector<1x128xf32> to vector<256x128xf32>
      %add3A_74 = arith.addf %add3A_72, %add3A_73 : vector<256x128xf32>
      %mul3A_75 = arith.constant 2.000000e+00 : f32
      %mul3A_76 = vector.broadcast %mul3A_75 : f32 to vector<256x128xf32>
      %mul3A_77 = arith.mulf %mul3A_76, %add3A_71 : vector<256x128xf32>
      %sub3A_78 = arith.subf %add3A_74, %mul3A_77 : vector<256x128xf32>
      %swap3A_79 = arith.constant 0 : index
      %swap3A_80 = arith.index_cast %multiple_of3A : i32 to index
      %swap3A_81 = vector.load %arg5[%swap3A_79, %swap3A_80] : memref<256x4096xf32, #tpu.memory_space<vmem>>, vector<256x128xf32>
      tpu.vector_store %arg5[%swap3A_79, %swap3A_80], %sub3A_78 {strides = array<i32>} : memref<256x4096xf32, #tpu.memory_space<vmem>>, vector<256x128xf32>,
      %scan3A_82 = arith.constant 1 : i32
      %scan3A_83 = arith.addi %scan3A_39, %scan3A_82 : i32
      %mul3A_84 = arith.constant 128 : i32
      %mul3A_85 = arith.muli %scan3A_83, %mul3A_84 : i32
      %multiple_of3A_86 = tpu.assume_multiple %mul3A_85, 128 : i32
      %get3A_87 = arith.constant 0 : index
      %get3A_88 = arith.constant 0 : index
      %get3A_89 = arith.index_cast %multiple_of3A_86 : i32 to index
      %get3A_90 = vector.load %arg3[%get3A_87, %get3A_88, %get3A_89] : memref<1x3x4096xf32, #tpu.memory_space<vmem>>, vector<1x3x128xf32>
      %get3A_91 = vector.shape_cast %get3A_90 : vector<1x3x128xf32> to vector<3x128xf32>
      %mul3A_92 = arith.mulf %get3A_91, %get3A_91 : vector<3x128xf32>
      %slice3A_93 = vector.extract_strided_slice %mul3A_92 {offsets = [0, 0], sizes = [1, 128], strides = [1, 1]} : vector<3x128xf32> to vector<1x128xf32>
      %slice3A_94 = vector.extract_strided_slice %mul3A_92 {offsets = [1, 0], sizes = [1, 128], strides = [1, 1]} : vector<3x128xf32> to vector<1x128xf32>
      %add3A_95 = arith.addf %slice3A_93, %slice3A_94 : vector<1x128xf32>
      %slice3A_96 = vector.extract_strided_slice %mul3A_92 {offsets = [2, 0], sizes = [1, 128], strides = [1, 1]} : vector<3x128xf32> to vector<1x128xf32>
      %add3A_97 = arith.addf %add3A_95, %slice3A_96 : vector<1x128xf32>
      %convert_element_type3A_98 = arith.truncf %get3A_91 : vector<3x128xf32> to vector<3x128xbf16>
      %convert_element_type3A_99 = arith.extf %convert_element_type3A_98 : vector<3x128xbf16> to vector<3x128xf32>
      %slice3A_100 = vector.extract_strided_slice %convert_element_type3A_7 {offsets = [0, 0], sizes = [256, 1], strides = [1, 1]} : vector<256x3xf32> to vector<256x1xf32>
      %slice3A_101 = vector.extract_strided_slice %convert_element_type3A_99 {offsets = [0, 0], sizes = [1, 128], strides = [1, 1]} : vector<3x128xf32> to vector<1x128xf32>
      %mul3A_102 = vector.broadcast %slice3A_100 : vector<256x1xf32> to vector<256x128xf32>
      %mul3A_103 = vector.broadcast %slice3A_101 : vector<1x128xf32> to vector<256x128xf32>
      %mul3A_104 = arith.mulf %mul3A_102, %mul3A_103 : vector<256x128xf32>
      %slice3A_105 = vector.extract_strided_slice %convert_element_type3A_7 {offsets = [0, 1], sizes = [256, 1], strides = [1, 1]} : vector<256x3xf32> to vector<256x1xf32>
      %slice3A_106 = vector.extract_strided_slice %convert_element_type3A_99 {offsets = [1, 0], sizes = [1, 128], strides = [1, 1]} : vector<3x128xf32> to vector<1x128xf32>
      %mul3A_107 = vector.broadcast %slice3A_105 : vector<256x1xf32> to vector<256x128xf32>
      %mul3A_108 = vector.broadcast %slice3A_106 : vector<1x128xf32> to vector<256x128xf32>
      %mul3A_109 = arith.mulf %mul3A_107, %mul3A_108 : vector<256x128xf32>
      %add3A_110 = arith.addf %mul3A_104, %mul3A_109 : vector<256x128xf32>
      %slice3A_111 = vector.extract_strided_slice %convert_element_type3A_7 {offsets = [0, 2], sizes = [256, 1], strides = [1, 1]} : vector<256x3xf32> to vector<256x1xf32>
      %slice3A_112 = vector.extract_strided_slice %convert_element_type3A_99 {offsets = [2, 0], sizes = [1, 128], strides = [1, 1]} : vector<3x128xf32> to vector<1x128xf32>
      %mul3A_113 = vector.broadcast %slice3A_111 : vector<256x1xf32> to vector<256x128xf32>
      %mul3A_114 = vector.broadcast %slice3A_112 : vector<1x128xf32> to vector<256x128xf32>
      %mul3A_115 = arith.mulf %mul3A_113, %mul3A_114 : vector<256x128xf32>
      %add3A_116 = arith.addf %add3A_110, %mul3A_115 : vector<256x128xf32>
      %add3A_117 = vector.broadcast %add3A_6 : vector<256x1xf32> to vector<256x128xf32>
      %add3A_118 = vector.broadcast %add3A_97 : vector<1x128xf32> to vector<256x128xf32>
      %add3A_119 = arith.addf %add3A_117, %add3A_118 : vector<256x128xf32>
      %mul3A_120 = arith.constant 2.000000e+00 : f32
      %mul3A_121 = vector.broadcast %mul3A_120 : f32 to vector<256x128xf32>
      %mul3A_122 = arith.mulf %mul3A_121, %add3A_116 : vector<256x128xf32>
      %sub3A_123 = arith.subf %add3A_119, %mul3A_122 : vector<256x128xf32>
      %swap3A_124 = arith.constant 0 : index
      %swap3A_125 = arith.index_cast %multiple_of3A_86 : i32 to index
      %swap3A_126 = vector.load %arg5[%swap3A_124, %swap3A_125] : memref<256x4096xf32, #tpu.memory_space<vmem>>, vector<256x128xf32>
      tpu.vector_store %arg5[%swap3A_124, %swap3A_125], %sub3A_123 {strides = array<i32>} : memref<256x4096xf32, #tpu.memory_space<vmem>>, vector<256x128xf32>,
      %scan3A_127 = arith.constant 2 : i32
      %scan3A_128 = arith.addi %scan3A_39, %scan3A_127 : i32
      %mul3A_129 = arith.constant 128 : i32
      %mul3A_130 = arith.muli %scan3A_128, %mul3A_129 : i32
      %multiple_of3A_131 = tpu.assume_multiple %mul3A_130, 128 : i32
      %get3A_132 = arith.constant 0 : index
      %get3A_133 = arith.constant 0 : index
      %get3A_134 = arith.index_cast %multiple_of3A_131 : i32 to index
      %get3A_135 = vector.load %arg3[%get3A_132, %get3A_133, %get3A_134] : memref<1x3x4096xf32, #tpu.memory_space<vmem>>, vector<1x3x128xf32>
      %get3A_136 = vector.shape_cast %get3A_135 : vector<1x3x128xf32> to vector<3x128xf32>
      %mul3A_137 = arith.mulf %get3A_136, %get3A_136 : vector<3x128xf32>
      %slice3A_138 = vector.extract_strided_slice %mul3A_137 {offsets = [0, 0], sizes = [1, 128], strides = [1, 1]} : vector<3x128xf32> to vector<1x128xf32>
      %slice3A_139 = vector.extract_strided_slice %mul3A_137 {offsets = [1, 0], sizes = [1, 128], strides = [1, 1]} : vector<3x128xf32> to vector<1x128xf32>
      %add3A_140 = arith.addf %slice3A_138, %slice3A_139 : vector<1x128xf32>
      %slice3A_141 = vector.extract_strided_slice %mul3A_137 {offsets = [2, 0], sizes = [1, 128], strides = [1, 1]} : vector<3x128xf32> to vector<1x128xf32>
      %add3A_142 = arith.addf %add3A_140, %slice3A_141 : vector<1x128xf32>
      %convert_element_type3A_143 = arith.truncf %get3A_136 : vector<3x128xf32> to vector<3x128xbf16>
      %convert_element_type3A_144 = arith.extf %convert_element_type3A_143 : vector<3x128xbf16> to vector<3x128xf32>
      %slice3A_145 = vector.extract_strided_slice %convert_element_type3A_7 {offsets = [0, 0], sizes = [256, 1], strides = [1, 1]} : vector<256x3xf32> to vector<256x1xf32>
      %slice3A_146 = vector.extract_strided_slice %convert_element_type3A_144 {offsets = [0, 0], sizes = [1, 128], strides = [1, 1]} : vector<3x128xf32> to vector<1x128xf32>
      %mul3A_147 = vector.broadcast %slice3A_145 : vector<256x1xf32> to vector<256x128xf32>
      %mul3A_148 = vector.broadcast %slice3A_146 : vector<1x128xf32> to vector<256x128xf32>
      %mul3A_149 = arith.mulf %mul3A_147, %mul3A_148 : vector<256x128xf32>
      %slice3A_150 = vector.extract_strided_slice %convert_element_type3A_7 {offsets = [0, 1], sizes = [256, 1], strides = [1, 1]} : vector<256x3xf32> to vector<256x1xf32>
      %slice3A_151 = vector.extract_strided_slice %convert_element_type3A_144 {offsets = [1, 0], sizes = [1, 128], strides = [1, 1]} : vector<3x128xf32> to vector<1x128xf32>
      %mul3A_152 = vector.broadcast %slice3A_150 : vector<256x1xf32> to vector<256x128xf32>
      %mul3A_153 = vector.broadcast %slice3A_151 : vector<1x128xf32> to vector<256x128xf32>
      %mul3A_154 = arith.mulf %mul3A_152, %mul3A_153 : vector<256x128xf32>
      %add3A_155 = arith.addf %mul3A_149, %mul3A_154 : vector<256x128xf32>
      %slice3A_156 = vector.extract_strided_slice %convert_element_type3A_7 {offsets = [0, 2], sizes = [256, 1], strides = [1, 1]} : vector<256x3xf32> to vector<256x1xf32>
      %slice3A_157 = vector.extract_strided_slice %convert_element_type3A_144 {offsets = [2, 0], sizes = [1, 128], strides = [1, 1]} : vector<3x128xf32> to vector<1x128xf32>
      %mul3A_158 = vector.broadcast %slice3A_156 : vector<256x1xf32> to vector<256x128xf32>
      %mul3A_159 = vector.broadcast %slice3A_157 : vector<1x128xf32> to vector<256x128xf32>
      %mul3A_160 = arith.mulf %mul3A_158, %mul3A_159 : vector<256x128xf32>
      %add3A_161 = arith.addf %add3A_155, %mul3A_160 : vector<256x128xf32>
      %add3A_162 = vector.broadcast %add3A_6 : vector<256x1xf32> to vector<256x128xf32>
      %add3A_163 = vector.broadcast %add3A_142 : vector<1x128xf32> to vector<256x128xf32>
      %add3A_164 = arith.addf %add3A_162, %add3A_163 : vector<256x128xf32>
      %mul3A_165 = arith.constant 2.000000e+00 : f32
      %mul3A_166 = vector.broadcast %mul3A_165 : f32 to vector<256x128xf32>
      %mul3A_167 = arith.mulf %mul3A_166, %add3A_161 : vector<256x128xf32>
      %sub3A_168 = arith.subf %add3A_164, %mul3A_167 : vector<256x128xf32>
      %swap3A_169 = arith.constant 0 : index
      %swap3A_170 = arith.index_cast %multiple_of3A_131 : i32 to index
      %swap3A_171 = vector.load %arg5[%swap3A_169, %swap3A_170] : memref<256x4096xf32, #tpu.memory_space<vmem>>, vector<256x128xf32>
      tpu.vector_store %arg5[%swap3A_169, %swap3A_170], %sub3A_168 {strides = array<i32>} : memref<256x4096xf32, #tpu.memory_space<vmem>>, vector<256x128xf32>,
      %scan3A_172 = arith.constant 3 : i32
      %scan3A_173 = arith.addi %scan3A_39, %scan3A_172 : i32
      %mul3A_174 = arith.constant 128 : i32
      %mul3A_175 = arith.muli %scan3A_173, %mul3A_174 : i32
      %multiple_of3A_176 = tpu.assume_multiple %mul3A_175, 128 : i32
      %get3A_177 = arith.constant 0 : index
      %get3A_178 = arith.constant 0 : index
      %get3A_179 = arith.index_cast %multiple_of3A_176 : i32 to index
      %get3A_180 = vector.load %arg3[%get3A_177, %get3A_178, %get3A_179] : memref<1x3x4096xf32, #tpu.memory_space<vmem>>, vector<1x3x128xf32>
      %get3A_181 = vector.shape_cast %get3A_180 : vector<1x3x128xf32> to vector<3x128xf32>
      %mul3A_182 = arith.mulf %get3A_181, %get3A_181 : vector<3x128xf32>
      %slice3A_183 = vector.extract_strided_slice %mul3A_182 {offsets = [0, 0], sizes = [1, 128], strides = [1, 1]} : vector<3x128xf32> to vector<1x128xf32>
      %slice3A_184 = vector.extract_strided_slice %mul3A_182 {offsets = [1, 0], sizes = [1, 128], strides = [1, 1]} : vector<3x128xf32> to vector<1x128xf32>
      %add3A_185 = arith.addf %slice3A_183, %slice3A_184 : vector<1x128xf32>
      %slice3A_186 = vector.extract_strided_slice %mul3A_182 {offsets = [2, 0], sizes = [1, 128], strides = [1, 1]} : vector<3x128xf32> to vector<1x128xf32>
      %add3A_187 = arith.addf %add3A_185, %slice3A_186 : vector<1x128xf32>
      %convert_element_type3A_188 = arith.truncf %get3A_181 : vector<3x128xf32> to vector<3x128xbf16>
      %convert_element_type3A_189 = arith.extf %convert_element_type3A_188 : vector<3x128xbf16> to vector<3x128xf32>
      %slice3A_190 = vector.extract_strided_slice %convert_element_type3A_7 {offsets = [0, 0], sizes = [256, 1], strides = [1, 1]} : vector<256x3xf32> to vector<256x1xf32>
      %slice3A_191 = vector.extract_strided_slice %convert_element_type3A_189 {offsets = [0, 0], sizes = [1, 128], strides = [1, 1]} : vector<3x128xf32> to vector<1x128xf32>
      %mul3A_192 = vector.broadcast %slice3A_190 : vector<256x1xf32> to vector<256x128xf32>
      %mul3A_193 = vector.broadcast %slice3A_191 : vector<1x128xf32> to vector<256x128xf32>
      %mul3A_194 = arith.mulf %mul3A_192, %mul3A_193 : vector<256x128xf32>
      %slice3A_195 = vector.extract_strided_slice %convert_element_type3A_7 {offsets = [0, 1], sizes = [256, 1], strides = [1, 1]} : vector<256x3xf32> to vector<256x1xf32>
      %slice3A_196 = vector.extract_strided_slice %convert_element_type3A_189 {offsets = [1, 0], sizes = [1, 128], strides = [1, 1]} : vector<3x128xf32> to vector<1x128xf32>
      %mul3A_197 = vector.broadcast %slice3A_195 : vector<256x1xf32> to vector<256x128xf32>
      %mul3A_198 = vector.broadcast %slice3A_196 : vector<1x128xf32> to vector<256x128xf32>
      %mul3A_199 = arith.mulf %mul3A_197, %mul3A_198 : vector<256x128xf32>
      %add3A_200 = arith.addf %mul3A_194, %mul3A_199 : vector<256x128xf32>
      %slice3A_201 = vector.extract_strided_slice %convert_element_type3A_7 {offsets = [0, 2], sizes = [256, 1], strides = [1, 1]} : vector<256x3xf32> to vector<256x1xf32>
      %slice3A_202 = vector.extract_strided_slice %convert_element_type3A_189 {offsets = [2, 0], sizes = [1, 128], strides = [1, 1]} : vector<3x128xf32> to vector<1x128xf32>
      %mul3A_203 = vector.broadcast %slice3A_201 : vector<256x1xf32> to vector<256x128xf32>
      %mul3A_204 = vector.broadcast %slice3A_202 : vector<1x128xf32> to vector<256x128xf32>
      %mul3A_205 = arith.mulf %mul3A_203, %mul3A_204 : vector<256x128xf32>
      %add3A_206 = arith.addf %add3A_200, %mul3A_205 : vector<256x128xf32>
      %add3A_207 = vector.broadcast %add3A_6 : vector<256x1xf32> to vector<256x128xf32>
      %add3A_208 = vector.broadcast %add3A_187 : vector<1x128xf32> to vector<256x128xf32>
      %add3A_209 = arith.addf %add3A_207, %add3A_208 : vector<256x128xf32>
      %mul3A_210 = arith.constant 2.000000e+00 : f32
      %mul3A_211 = vector.broadcast %mul3A_210 : f32 to vector<256x128xf32>
      %mul3A_212 = arith.mulf %mul3A_211, %add3A_206 : vector<256x128xf32>
      %sub3A_213 = arith.subf %add3A_209, %mul3A_212 : vector<256x128xf32>
      %swap3A_214 = arith.constant 0 : index
      %swap3A_215 = arith.index_cast %multiple_of3A_176 : i32 to index
      %swap3A_216 = vector.load %arg5[%swap3A_214, %swap3A_215] : memref<256x4096xf32, #tpu.memory_space<vmem>>, vector<256x128xf32>
      tpu.vector_store %arg5[%swap3A_214, %swap3A_215], %sub3A_213 {strides = array<i32>} : memref<256x4096xf32, #tpu.memory_space<vmem>>, vector<256x128xf32>,
      %scan3A_217 = arith.constant 4 : i32
      %scan3A_218 = arith.addi %scan3A_39, %scan3A_217 : i32
      %mul3A_219 = arith.constant 128 : i32
      %mul3A_220 = arith.muli %scan3A_218, %mul3A_219 : i32
      %multiple_of3A_221 = tpu.assume_multiple %mul3A_220, 128 : i32
      %get3A_222 = arith.constant 0 : index
      %get3A_223 = arith.constant 0 : index
      %get3A_224 = arith.index_cast %multiple_of3A_221 : i32 to index
      %get3A_225 = vector.load %arg3[%get3A_222, %get3A_223, %get3A_224] : memref<1x3x4096xf32, #tpu.memory_space<vmem>>, vector<1x3x128xf32>
      %get3A_226 = vector.shape_cast %get3A_225 : vector<1x3x128xf32> to vector<3x128xf32>
      %mul3A_227 = arith.mulf %get3A_226, %get3A_226 : vector<3x128xf32>
      %slice3A_228 = vector.extract_strided_slice %mul3A_227 {offsets = [0, 0], sizes = [1, 128], strides = [1, 1]} : vector<3x128xf32> to vector<1x128xf32>
      %slice3A_229 = vector.extract_strided_slice %mul3A_227 {offsets = [1, 0], sizes = [1, 128], strides = [1, 1]} : vector<3x128xf32> to vector<1x128xf32>
      %add3A_230 = arith.addf %slice3A_228, %slice3A_229 : vector<1x128xf32>
      %slice3A_231 = vector.extract_strided_slice %mul3A_227 {offsets = [2, 0], sizes = [1, 128], strides = [1, 1]} : vector<3x128xf32> to vector<1x128xf32>
      %add3A_232 = arith.addf %add3A_230, %slice3A_231 : vector<1x128xf32>
      %convert_element_type3A_233 = arith.truncf %get3A_226 : vector<3x128xf32> to vector<3x128xbf16>
      %convert_element_type3A_234 = arith.extf %convert_element_type3A_233 : vector<3x128xbf16> to vector<3x128xf32>
      %slice3A_235 = vector.extract_strided_slice %convert_element_type3A_7 {offsets = [0, 0], sizes = [256, 1], strides = [1, 1]} : vector<256x3xf32> to vector<256x1xf32>
      %slice3A_236 = vector.extract_strided_slice %convert_element_type3A_234 {offsets = [0, 0], sizes = [1, 128], strides = [1, 1]} : vector<3x128xf32> to vector<1x128xf32>
      %mul3A_237 = vector.broadcast %slice3A_235 : vector<256x1xf32> to vector<256x128xf32>
      %mul3A_238 = vector.broadcast %slice3A_236 : vector<1x128xf32> to vector<256x128xf32>
      %mul3A_239 = arith.mulf %mul3A_237, %mul3A_238 : vector<256x128xf32>
      %slice3A_240 = vector.extract_strided_slice %convert_element_type3A_7 {offsets = [0, 1], sizes = [256, 1], strides = [1, 1]} : vector<256x3xf32> to vector<256x1xf32>
      %slice3A_241 = vector.extract_strided_slice %convert_element_type3A_234 {offsets = [1, 0], sizes = [1, 128], strides = [1, 1]} : vector<3x128xf32> to vector<1x128xf32>
      %mul3A_242 = vector.broadcast %slice3A_240 : vector<256x1xf32> to vector<256x128xf32>
      %mul3A_243 = vector.broadcast %slice3A_241 : vector<1x128xf32> to vector<256x128xf32>
      %mul3A_244 = arith.mulf %mul3A_242, %mul3A_243 : vector<256x128xf32>
      %add3A_245 = arith.addf %mul3A_239, %mul3A_244 : vector<256x128xf32>
      %slice3A_246 = vector.extract_strided_slice %convert_element_type3A_7 {offsets = [0, 2], sizes = [256, 1], strides = [1, 1]} : vector<256x3xf32> to vector<256x1xf32>
      %slice3A_247 = vector.extract_strided_slice %convert_element_type3A_234 {offsets = [2, 0], sizes = [1, 128], strides = [1, 1]} : vector<3x128xf32> to vector<1x128xf32>
      %mul3A_248 = vector.broadcast %slice3A_246 : vector<256x1xf32> to vector<256x128xf32>
      %mul3A_249 = vector.broadcast %slice3A_247 : vector<1x128xf32> to vector<256x128xf32>
      %mul3A_250 = arith.mulf %mul3A_248, %mul3A_249 : vector<256x128xf32>
      %add3A_251 = arith.addf %add3A_245, %mul3A_250 : vector<256x128xf32>
      %add3A_252 = vector.broadcast %add3A_6 : vector<256x1xf32> to vector<256x128xf32>
      %add3A_253 = vector.broadcast %add3A_232 : vector<1x128xf32> to vector<256x128xf32>
      %add3A_254 = arith.addf %add3A_252, %add3A_253 : vector<256x128xf32>
      %mul3A_255 = arith.constant 2.000000e+00 : f32
      %mul3A_256 = vector.broadcast %mul3A_255 : f32 to vector<256x128xf32>
      %mul3A_257 = arith.mulf %mul3A_256, %add3A_251 : vector<256x128xf32>
      %sub3A_258 = arith.subf %add3A_254, %mul3A_257 : vector<256x128xf32>
      %swap3A_259 = arith.constant 0 : index
      %swap3A_260 = arith.index_cast %multiple_of3A_221 : i32 to index
      %swap3A_261 = vector.load %arg5[%swap3A_259, %swap3A_260] : memref<256x4096xf32, #tpu.memory_space<vmem>>, vector<256x128xf32>
      tpu.vector_store %arg5[%swap3A_259, %swap3A_260], %sub3A_258 {strides = array<i32>} : memref<256x4096xf32, #tpu.memory_space<vmem>>, vector<256x128xf32>,
      %scan3A_262 = arith.constant 5 : i32
      %scan3A_263 = arith.addi %scan3A_39, %scan3A_262 : i32
      %mul3A_264 = arith.constant 128 : i32
      %mul3A_265 = arith.muli %scan3A_263, %mul3A_264 : i32
      %multiple_of3A_266 = tpu.assume_multiple %mul3A_265, 128 : i32
      %get3A_267 = arith.constant 0 : index
      %get3A_268 = arith.constant 0 : index
      %get3A_269 = arith.index_cast %multiple_of3A_266 : i32 to index
      %get3A_270 = vector.load %arg3[%get3A_267, %get3A_268, %get3A_269] : memref<1x3x4096xf32, #tpu.memory_space<vmem>>, vector<1x3x128xf32>
      %get3A_271 = vector.shape_cast %get3A_270 : vector<1x3x128xf32> to vector<3x128xf32>
      %mul3A_272 = arith.mulf %get3A_271, %get3A_271 : vector<3x128xf32>
      %slice3A_273 = vector.extract_strided_slice %mul3A_272 {offsets = [0, 0], sizes = [1, 128], strides = [1, 1]} : vector<3x128xf32> to vector<1x128xf32>
      %slice3A_274 = vector.extract_strided_slice %mul3A_272 {offsets = [1, 0], sizes = [1, 128], strides = [1, 1]} : vector<3x128xf32> to vector<1x128xf32>
      %add3A_275 = arith.addf %slice3A_273, %slice3A_274 : vector<1x128xf32>
      %slice3A_276 = vector.extract_strided_slice %mul3A_272 {offsets = [2, 0], sizes = [1, 128], strides = [1, 1]} : vector<3x128xf32> to vector<1x128xf32>
      %add3A_277 = arith.addf %add3A_275, %slice3A_276 : vector<1x128xf32>
      %convert_element_type3A_278 = arith.truncf %get3A_271 : vector<3x128xf32> to vector<3x128xbf16>
      %convert_element_type3A_279 = arith.extf %convert_element_type3A_278 : vector<3x128xbf16> to vector<3x128xf32>
      %slice3A_280 = vector.extract_strided_slice %convert_element_type3A_7 {offsets = [0, 0], sizes = [256, 1], strides = [1, 1]} : vector<256x3xf32> to vector<256x1xf32>
      %slice3A_281 = vector.extract_strided_slice %convert_element_type3A_279 {offsets = [0, 0], sizes = [1, 128], strides = [1, 1]} : vector<3x128xf32> to vector<1x128xf32>
      %mul3A_282 = vector.broadcast %slice3A_280 : vector<256x1xf32> to vector<256x128xf32>
      %mul3A_283 = vector.broadcast %slice3A_281 : vector<1x128xf32> to vector<256x128xf32>
      %mul3A_284 = arith.mulf %mul3A_282, %mul3A_283 : vector<256x128xf32>
      %slice3A_285 = vector.extract_strided_slice %convert_element_type3A_7 {offsets = [0, 1], sizes = [256, 1], strides = [1, 1]} : vector<256x3xf32> to vector<256x1xf32>
      %slice3A_286 = vector.extract_strided_slice %convert_element_type3A_279 {offsets = [1, 0], sizes = [1, 128], strides = [1, 1]} : vector<3x128xf32> to vector<1x128xf32>
      %mul3A_287 = vector.broadcast %slice3A_285 : vector<256x1xf32> to vector<256x128xf32>
      %mul3A_288 = vector.broadcast %slice3A_286 : vector<1x128xf32> to vector<256x128xf32>
      %mul3A_289 = arith.mulf %mul3A_287, %mul3A_288 : vector<256x128xf32>
      %add3A_290 = arith.addf %mul3A_284, %mul3A_289 : vector<256x128xf32>
      %slice3A_291 = vector.extract_strided_slice %convert_element_type3A_7 {offsets = [0, 2], sizes = [256, 1], strides = [1, 1]} : vector<256x3xf32> to vector<256x1xf32>
      %slice3A_292 = vector.extract_strided_slice %convert_element_type3A_279 {offsets = [2, 0], sizes = [1, 128], strides = [1, 1]} : vector<3x128xf32> to vector<1x128xf32>
      %mul3A_293 = vector.broadcast %slice3A_291 : vector<256x1xf32> to vector<256x128xf32>
      %mul3A_294 = vector.broadcast %slice3A_292 : vector<1x128xf32> to vector<256x128xf32>
      %mul3A_295 = arith.mulf %mul3A_293, %mul3A_294 : vector<256x128xf32>
      %add3A_296 = arith.addf %add3A_290, %mul3A_295 : vector<256x128xf32>
      %add3A_297 = vector.broadcast %add3A_6 : vector<256x1xf32> to vector<256x128xf32>
      %add3A_298 = vector.broadcast %add3A_277 : vector<1x128xf32> to vector<256x128xf32>
      %add3A_299 = arith.addf %add3A_297, %add3A_298 : vector<256x128xf32>
      %mul3A_300 = arith.constant 2.000000e+00 : f32
      %mul3A_301 = vector.broadcast %mul3A_300 : f32 to vector<256x128xf32>
      %mul3A_302 = arith.mulf %mul3A_301, %add3A_296 : vector<256x128xf32>
      %sub3A_303 = arith.subf %add3A_299, %mul3A_302 : vector<256x128xf32>
      %swap3A_304 = arith.constant 0 : index
      %swap3A_305 = arith.index_cast %multiple_of3A_266 : i32 to index
      %swap3A_306 = vector.load %arg5[%swap3A_304, %swap3A_305] : memref<256x4096xf32, #tpu.memory_space<vmem>>, vector<256x128xf32>
      tpu.vector_store %arg5[%swap3A_304, %swap3A_305], %sub3A_303 {strides = array<i32>} : memref<256x4096xf32, #tpu.memory_space<vmem>>, vector<256x128xf32>,
      %scan3A_307 = arith.constant 6 : i32
      %scan3A_308 = arith.addi %scan3A_39, %scan3A_307 : i32
      %mul3A_309 = arith.constant 128 : i32
      %mul3A_310 = arith.muli %scan3A_308, %mul3A_309 : i32
      %multiple_of3A_311 = tpu.assume_multiple %mul3A_310, 128 : i32
      %get3A_312 = arith.constant 0 : index
      %get3A_313 = arith.constant 0 : index
      %get3A_314 = arith.index_cast %multiple_of3A_311 : i32 to index
      %get3A_315 = vector.load %arg3[%get3A_312, %get3A_313, %get3A_314] : memref<1x3x4096xf32, #tpu.memory_space<vmem>>, vector<1x3x128xf32>
      %get3A_316 = vector.shape_cast %get3A_315 : vector<1x3x128xf32> to vector<3x128xf32>
      %mul3A_317 = arith.mulf %get3A_316, %get3A_316 : vector<3x128xf32>
      %slice3A_318 = vector.extract_strided_slice %mul3A_317 {offsets = [0, 0], sizes = [1, 128], strides = [1, 1]} : vector<3x128xf32> to vector<1x128xf32>
      %slice3A_319 = vector.extract_strided_slice %mul3A_317 {offsets = [1, 0], sizes = [1, 128], strides = [1, 1]} : vector<3x128xf32> to vector<1x128xf32>
      %add3A_320 = arith.addf %slice3A_318, %slice3A_319 : vector<1x128xf32>
      %slice3A_321 = vector.extract_strided_slice %mul3A_317 {offsets = [2, 0], sizes = [1, 128], strides = [1, 1]} : vector<3x128xf32> to vector<1x128xf32>
      %add3A_322 = arith.addf %add3A_320, %slice3A_321 : vector<1x128xf32>
      %convert_element_type3A_323 = arith.truncf %get3A_316 : vector<3x128xf32> to vector<3x128xbf16>
      %convert_element_type3A_324 = arith.extf %convert_element_type3A_323 : vector<3x128xbf16> to vector<3x128xf32>
      %slice3A_325 = vector.extract_strided_slice %convert_element_type3A_7 {offsets = [0, 0], sizes = [256, 1], strides = [1, 1]} : vector<256x3xf32> to vector<256x1xf32>
      %slice3A_326 = vector.extract_strided_slice %convert_element_type3A_324 {offsets = [0, 0], sizes = [1, 128], strides = [1, 1]} : vector<3x128xf32> to vector<1x128xf32>
      %mul3A_327 = vector.broadcast %slice3A_325 : vector<256x1xf32> to vector<256x128xf32>
      %mul3A_328 = vector.broadcast %slice3A_326 : vector<1x128xf32> to vector<256x128xf32>
      %mul3A_329 = arith.mulf %mul3A_327, %mul3A_328 : vector<256x128xf32>
      %slice3A_330 = vector.extract_strided_slice %convert_element_type3A_7 {offsets = [0, 1], sizes = [256, 1], strides = [1, 1]} : vector<256x3xf32> to vector<256x1xf32>
      %slice3A_331 = vector.extract_strided_slice %convert_element_type3A_324 {offsets = [1, 0], sizes = [1, 128], strides = [1, 1]} : vector<3x128xf32> to vector<1x128xf32>
      %mul3A_332 = vector.broadcast %slice3A_330 : vector<256x1xf32> to vector<256x128xf32>
      %mul3A_333 = vector.broadcast %slice3A_331 : vector<1x128xf32> to vector<256x128xf32>
      %mul3A_334 = arith.mulf %mul3A_332, %mul3A_333 : vector<256x128xf32>
      %add3A_335 = arith.addf %mul3A_329, %mul3A_334 : vector<256x128xf32>
      %slice3A_336 = vector.extract_strided_slice %convert_element_type3A_7 {offsets = [0, 2], sizes = [256, 1], strides = [1, 1]} : vector<256x3xf32> to vector<256x1xf32>
      %slice3A_337 = vector.extract_strided_slice %convert_element_type3A_324 {offsets = [2, 0], sizes = [1, 128], strides = [1, 1]} : vector<3x128xf32> to vector<1x128xf32>
      %mul3A_338 = vector.broadcast %slice3A_336 : vector<256x1xf32> to vector<256x128xf32>
      %mul3A_339 = vector.broadcast %slice3A_337 : vector<1x128xf32> to vector<256x128xf32>
      %mul3A_340 = arith.mulf %mul3A_338, %mul3A_339 : vector<256x128xf32>
      %add3A_341 = arith.addf %add3A_335, %mul3A_340 : vector<256x128xf32>
      %add3A_342 = vector.broadcast %add3A_6 : vector<256x1xf32> to vector<256x128xf32>
      %add3A_343 = vector.broadcast %add3A_322 : vector<1x128xf32> to vector<256x128xf32>
      %add3A_344 = arith.addf %add3A_342, %add3A_343 : vector<256x128xf32>
      %mul3A_345 = arith.constant 2.000000e+00 : f32
      %mul3A_346 = vector.broadcast %mul3A_345 : f32 to vector<256x128xf32>
      %mul3A_347 = arith.mulf %mul3A_346, %add3A_341 : vector<256x128xf32>
      %sub3A_348 = arith.subf %add3A_344, %mul3A_347 : vector<256x128xf32>
      %swap3A_349 = arith.constant 0 : index
      %swap3A_350 = arith.index_cast %multiple_of3A_311 : i32 to index
      %swap3A_351 = vector.load %arg5[%swap3A_349, %swap3A_350] : memref<256x4096xf32, #tpu.memory_space<vmem>>, vector<256x128xf32>
      tpu.vector_store %arg5[%swap3A_349, %swap3A_350], %sub3A_348 {strides = array<i32>} : memref<256x4096xf32, #tpu.memory_space<vmem>>, vector<256x128xf32>,
      %scan3A_352 = arith.constant 7 : i32
      %scan3A_353 = arith.addi %scan3A_39, %scan3A_352 : i32
      %mul3A_354 = arith.constant 128 : i32
      %mul3A_355 = arith.muli %scan3A_353, %mul3A_354 : i32
      %multiple_of3A_356 = tpu.assume_multiple %mul3A_355, 128 : i32
      %get3A_357 = arith.constant 0 : index
      %get3A_358 = arith.constant 0 : index
      %get3A_359 = arith.index_cast %multiple_of3A_356 : i32 to index
      %get3A_360 = vector.load %arg3[%get3A_357, %get3A_358, %get3A_359] : memref<1x3x4096xf32, #tpu.memory_space<vmem>>, vector<1x3x128xf32>
      %get3A_361 = vector.shape_cast %get3A_360 : vector<1x3x128xf32> to vector<3x128xf32>
      %mul3A_362 = arith.mulf %get3A_361, %get3A_361 : vector<3x128xf32>
      %slice3A_363 = vector.extract_strided_slice %mul3A_362 {offsets = [0, 0], sizes = [1, 128], strides = [1, 1]} : vector<3x128xf32> to vector<1x128xf32>
      %slice3A_364 = vector.extract_strided_slice %mul3A_362 {offsets = [1, 0], sizes = [1, 128], strides = [1, 1]} : vector<3x128xf32> to vector<1x128xf32>
      %add3A_365 = arith.addf %slice3A_363, %slice3A_364 : vector<1x128xf32>
      %slice3A_366 = vector.extract_strided_slice %mul3A_362 {offsets = [2, 0], sizes = [1, 128], strides = [1, 1]} : vector<3x128xf32> to vector<1x128xf32>
      %add3A_367 = arith.addf %add3A_365, %slice3A_366 : vector<1x128xf32>
      %convert_element_type3A_368 = arith.truncf %get3A_361 : vector<3x128xf32> to vector<3x128xbf16>
      %convert_element_type3A_369 = arith.extf %convert_element_type3A_368 : vector<3x128xbf16> to vector<3x128xf32>
      %slice3A_370 = vector.extract_strided_slice %convert_element_type3A_7 {offsets = [0, 0], sizes = [256, 1], strides = [1, 1]} : vector<256x3xf32> to vector<256x1xf32>
      %slice3A_371 = vector.extract_strided_slice %convert_element_type3A_369 {offsets = [0, 0], sizes = [1, 128], strides = [1, 1]} : vector<3x128xf32> to vector<1x128xf32>
      %mul3A_372 = vector.broadcast %slice3A_370 : vector<256x1xf32> to vector<256x128xf32>
      %mul3A_373 = vector.broadcast %slice3A_371 : vector<1x128xf32> to vector<256x128xf32>
      %mul3A_374 = arith.mulf %mul3A_372, %mul3A_373 : vector<256x128xf32>
      %slice3A_375 = vector.extract_strided_slice %convert_element_type3A_7 {offsets = [0, 1], sizes = [256, 1], strides = [1, 1]} : vector<256x3xf32> to vector<256x1xf32>
      %slice3A_376 = vector.extract_strided_slice %convert_element_type3A_369 {offsets = [1, 0], sizes = [1, 128], strides = [1, 1]} : vector<3x128xf32> to vector<1x128xf32>
      %mul3A_377 = vector.broadcast %slice3A_375 : vector<256x1xf32> to vector<256x128xf32>
      %mul3A_378 = vector.broadcast %slice3A_376 : vector<1x128xf32> to vector<256x128xf32>
      %mul3A_379 = arith.mulf %mul3A_377, %mul3A_378 : vector<256x128xf32>
      %add3A_380 = arith.addf %mul3A_374, %mul3A_379 : vector<256x128xf32>
      %slice3A_381 = vector.extract_strided_slice %convert_element_type3A_7 {offsets = [0, 2], sizes = [256, 1], strides = [1, 1]} : vector<256x3xf32> to vector<256x1xf32>
      %slice3A_382 = vector.extract_strided_slice %convert_element_type3A_369 {offsets = [2, 0], sizes = [1, 128], strides = [1, 1]} : vector<3x128xf32> to vector<1x128xf32>
      %mul3A_383 = vector.broadcast %slice3A_381 : vector<256x1xf32> to vector<256x128xf32>
      %mul3A_384 = vector.broadcast %slice3A_382 : vector<1x128xf32> to vector<256x128xf32>
      %mul3A_385 = arith.mulf %mul3A_383, %mul3A_384 : vector<256x128xf32>
      %add3A_386 = arith.addf %add3A_380, %mul3A_385 : vector<256x128xf32>
      %add3A_387 = vector.broadcast %add3A_6 : vector<256x1xf32> to vector<256x128xf32>
      %add3A_388 = vector.broadcast %add3A_367 : vector<1x128xf32> to vector<256x128xf32>
      %add3A_389 = arith.addf %add3A_387, %add3A_388 : vector<256x128xf32>
      %mul3A_390 = arith.constant 2.000000e+00 : f32
      %mul3A_391 = vector.broadcast %mul3A_390 : f32 to vector<256x128xf32>
      %mul3A_392 = arith.mulf %mul3A_391, %add3A_386 : vector<256x128xf32>
      %sub3A_393 = arith.subf %add3A_389, %mul3A_392 : vector<256x128xf32>
      %swap3A_394 = arith.constant 0 : index
      %swap3A_395 = arith.index_cast %multiple_of3A_356 : i32 to index
      %swap3A_396 = vector.load %arg5[%swap3A_394, %swap3A_395] : memref<256x4096xf32, #tpu.memory_space<vmem>>, vector<256x128xf32>
      tpu.vector_store %arg5[%swap3A_394, %swap3A_395], %sub3A_393 {strides = array<i32>} : memref<256x4096xf32, #tpu.memory_space<vmem>>, vector<256x128xf32>,
    }
    %scan3A_11 = arith.constant 32 : i32
    %iota3A_12 = tpu.iota {dimensions = array<i32: 1>} : vector<256x16xi32>
    %mul3A_13 = arith.constant 0.000000e+00 : f32
    %mul3A_14 = vector.broadcast %mul3A_13 : f32 to vector<256x1xf32>
    %mul3A_15 = arith.mulf %add3A_6, %mul3A_14 : vector<256x1xf32>
    %convert_element_type3A_16 = arith.fptosi %mul3A_15 : vector<256x1xf32> to vector<256x1xi32>
    %sub3A = arith.constant 1 : i32
    %sub3A_17 = vector.broadcast %sub3A : i32 to vector<256x1xi32>
    %sub3A_18 = arith.subi %convert_element_type3A_16, %sub3A_17 : vector<256x1xi32>
    %iota3A_19 = tpu.iota {dimensions = array<i32: 0>} : vector<256x16xi32>
    %add3A_20 = arith.addi %iota3A_12, %iota3A_19 : vector<256x16xi32>
    %mul3A_21 = arith.constant 0 : i32
    %mul3A_22 = vector.broadcast %mul3A_21 : i32 to vector<256x16xi32>
    %mul3A_23 = arith.muli %add3A_20, %mul3A_22 : vector<256x16xi32>
    %scan3A_24 = arith.constant 0 : i32
    %scan3A_25 = arith.constant 16 : i32
    %scan3A_26 = arith.addi %scan3A_24, %scan3A_25 : i32
    %scan3A_27 = arith.constant 1 : i32
    %scan3A_28:2 = scf.for %scan3A_39 = %scan3A_24 to %scan3A_26 step %scan3A_27 iter_args(%scan3A_40 = %sub3A_18, %scan3A_41 = %mul3A_23) -> (vector<256x1xi32>, vector<256x16xi32>)  : i32 {
      %mul3A_42 = arith.constant 0.000000e+00 : f32
      %mul3A_43 = vector.broadcast %mul3A_42 : f32 to vector<256x1xf32>
      %mul3A_44 = arith.mulf %add3A_6, %mul3A_43 : vector<256x1xf32>
      %add3A_45 = arith.constant 1.000000e+30 : f32
      %add3A_46 = vector.broadcast %add3A_45 : f32 to vector<256x1xf32>
      %add3A_47 = arith.addf %mul3A_44, %add3A_46 : vector<256x1xf32>
      %mul3A_48 = arith.constant 0.000000e+00 : f32
      %mul3A_49 = vector.broadcast %mul3A_48 : f32 to vector<256x1xf32>
      %mul3A_50 = arith.mulf %add3A_6, %mul3A_49 : vector<256x1xf32>
      %convert_element_type3A_51 = arith.fptosi %mul3A_50 : vector<256x1xf32> to vector<256x1xi32>
      %add3A_52 = arith.constant 1073741824 : i32
      %add3A_53 = vector.broadcast %add3A_52 : i32 to vector<256x1xi32>
      %add3A_54 = arith.addi %convert_element_type3A_51, %add3A_53 : vector<256x1xi32>
      %scan3A_55 = arith.constant 0 : i32
      %scan3A_56 = arith.constant 32 : i32
      %scan3A_57 = arith.addi %scan3A_55, %scan3A_56 : i32
      %scan3A_58 = arith.constant 8 : i32
      %scan3A_59:2 = scf.for %scan3A_66 = %scan3A_55 to %scan3A_57 step %scan3A_58 iter_args(%scan3A_67 = %add3A_47, %scan3A_68 = %add3A_54) -> (vector<256x1xf32>, vector<256x1xi32>)  : i32 {
        %mul3A_69 = arith.constant 128 : i32
        %mul3A_70 = arith.muli %scan3A_66, %mul3A_69 : i32
        %multiple_of3A = tpu.assume_multiple %mul3A_70, 128 : i32
        %get3A_71 = arith.constant 0 : index
        %get3A_72 = arith.index_cast %multiple_of3A : i32 to index
        %get3A_73 = vector.load %arg5[%get3A_71, %get3A_72] : memref<256x4096xf32, #tpu.memory_space<vmem>>, vector<256x128xf32>
        %add3A_74 = vector.broadcast %multiple_of3A : i32 to vector<256x128xi32>
        %add3A_75 = arith.addi %iota3A, %add3A_74 : vector<256x128xi32>
        %eq3A_76 = vector.broadcast %scan3A_40 : vector<256x1xi32> to vector<256x128xi32>
        %eq3A_77 = arith.cmpi eq, %add3A_75, %eq3A_76 : vector<256x128xi32>
        %convert_element_type3A_78 = arith.extui %eq3A_77 : vector<256x128xi1> to vector<256x128xi32>
        %convert_element_type3A_79 = arith.sitofp %convert_element_type3A_78 : vector<256x128xi32> to vector<256x128xf32>
        %mul3A_80 = arith.constant 1.000000e+30 : f32
        %mul3A_81 = vector.broadcast %mul3A_80 : f32 to vector<256x128xf32>
        %mul3A_82 = arith.mulf %convert_element_type3A_79, %mul3A_81 : vector<256x128xf32>
        %add3A_83 = arith.addf %get3A_73, %mul3A_82 : vector<256x128xf32>
        %swap3A_84 = arith.constant 0 : index
        %swap3A_85 = arith.index_cast %multiple_of3A : i32 to index
        %swap3A_86 = vector.load %arg5[%swap3A_84, %swap3A_85] : memref<256x4096xf32, #tpu.memory_space<vmem>>, vector<256x128xf32>
        tpu.vector_store %arg5[%swap3A_84, %swap3A_85], %add3A_83 {strides = array<i32>} : memref<256x4096xf32, #tpu.memory_space<vmem>>, vector<256x128xf32>,
        %reduce_min3A = arith.constant dense<0x7F800000> : vector<256xf32>
        %reduce_min3A_87 = vector.multi_reduction <minimumf>, %add3A_83, %reduce_min3A [1] : vector<256x128xf32> to vector<256xf32>
        %broadcast_in_dim3A = vector.shape_cast %reduce_min3A_87 : vector<256xf32> to vector<256x1xf32>
        %ne3A = vector.broadcast %broadcast_in_dim3A : vector<256x1xf32> to vector<256x128xf32>
        %ne3A_88 = arith.cmpf one, %add3A_83, %ne3A : vector<256x128xf32>
        %convert_element_type3A_89 = arith.extui %ne3A_88 : vector<256x128xi1> to vector<256x128xi32>
        %mul3A_90 = arith.constant 1073741824 : i32
        %mul3A_91 = vector.broadcast %mul3A_90 : i32 to vector<256x128xi32>
        %mul3A_92 = arith.muli %convert_element_type3A_89, %mul3A_91 : vector<256x128xi32>
        %add3A_93 = arith.addi %add3A_75, %mul3A_92 : vector<256x128xi32>
        %reduce_min3A_94 = arith.constant dense<2147483647> : vector<256xi32>
        %reduce_min3A_95 = vector.multi_reduction <minsi>, %add3A_93, %reduce_min3A_94 [1] : vector<256x128xi32> to vector<256xi32>
        %broadcast_in_dim3A_96 = vector.shape_cast %reduce_min3A_95 : vector<256xi32> to vector<256x1xi32>
        %lt3A = arith.cmpf olt, %broadcast_in_dim3A, %scan3A_67 : vector<256x1xf32>
        %eq3A_97 = arith.cmpf oeq, %broadcast_in_dim3A, %scan3A_67 : vector<256x1xf32>
        %min3A = arith.minsi %scan3A_68, %broadcast_in_dim3A_96 : vector<256x1xi32>
        %select_n3A = arith.select %eq3A_97, %min3A, %scan3A_68 : vector<256x1xi1>, vector<256x1xi32>
        %select_n3A_98 = arith.select %lt3A, %broadcast_in_dim3A_96, %select_n3A : vector<256x1xi1>, vector<256x1xi32>
        %min3A_99 = arith.minimumf %scan3A_67, %broadcast_in_dim3A : vector<256x1xf32>
        %scan3A_100 = arith.constant 1 : i32
        %scan3A_101 = arith.addi %scan3A_66, %scan3A_100 : i32
        %mul3A_102 = arith.constant 128 : i32
        %mul3A_103 = arith.muli %scan3A_101, %mul3A_102 : i32
        %multiple_of3A_104 = tpu.assume_multiple %mul3A_103, 128 : i32
        %get3A_105 = arith.constant 0 : index
        %get3A_106 = arith.index_cast %multiple_of3A_104 : i32 to index
        %get3A_107 = vector.load %arg5[%get3A_105, %get3A_106] : memref<256x4096xf32, #tpu.memory_space<vmem>>, vector<256x128xf32>
        %add3A_108 = vector.broadcast %multiple_of3A_104 : i32 to vector<256x128xi32>
        %add3A_109 = arith.addi %iota3A, %add3A_108 : vector<256x128xi32>
        %eq3A_110 = vector.broadcast %scan3A_40 : vector<256x1xi32> to vector<256x128xi32>
        %eq3A_111 = arith.cmpi eq, %add3A_109, %eq3A_110 : vector<256x128xi32>
        %convert_element_type3A_112 = arith.extui %eq3A_111 : vector<256x128xi1> to vector<256x128xi32>
        %convert_element_type3A_113 = arith.sitofp %convert_element_type3A_112 : vector<256x128xi32> to vector<256x128xf32>
        %mul3A_114 = arith.constant 1.000000e+30 : f32
        %mul3A_115 = vector.broadcast %mul3A_114 : f32 to vector<256x128xf32>
        %mul3A_116 = arith.mulf %convert_element_type3A_113, %mul3A_115 : vector<256x128xf32>
        %add3A_117 = arith.addf %get3A_107, %mul3A_116 : vector<256x128xf32>
        %swap3A_118 = arith.constant 0 : index
        %swap3A_119 = arith.index_cast %multiple_of3A_104 : i32 to index
        %swap3A_120 = vector.load %arg5[%swap3A_118, %swap3A_119] : memref<256x4096xf32, #tpu.memory_space<vmem>>, vector<256x128xf32>
        tpu.vector_store %arg5[%swap3A_118, %swap3A_119], %add3A_117 {strides = array<i32>} : memref<256x4096xf32, #tpu.memory_space<vmem>>, vector<256x128xf32>,
        %reduce_min3A_121 = arith.constant dense<0x7F800000> : vector<256xf32>
        %reduce_min3A_122 = vector.multi_reduction <minimumf>, %add3A_117, %reduce_min3A_121 [1] : vector<256x128xf32> to vector<256xf32>
        %broadcast_in_dim3A_123 = vector.shape_cast %reduce_min3A_122 : vector<256xf32> to vector<256x1xf32>
        %ne3A_124 = vector.broadcast %broadcast_in_dim3A_123 : vector<256x1xf32> to vector<256x128xf32>
        %ne3A_125 = arith.cmpf one, %add3A_117, %ne3A_124 : vector<256x128xf32>
        %convert_element_type3A_126 = arith.extui %ne3A_125 : vector<256x128xi1> to vector<256x128xi32>
        %mul3A_127 = arith.constant 1073741824 : i32
        %mul3A_128 = vector.broadcast %mul3A_127 : i32 to vector<256x128xi32>
        %mul3A_129 = arith.muli %convert_element_type3A_126, %mul3A_128 : vector<256x128xi32>
        %add3A_130 = arith.addi %add3A_109, %mul3A_129 : vector<256x128xi32>
        %reduce_min3A_131 = arith.constant dense<2147483647> : vector<256xi32>
        %reduce_min3A_132 = vector.multi_reduction <minsi>, %add3A_130, %reduce_min3A_131 [1] : vector<256x128xi32> to vector<256xi32>
        %broadcast_in_dim3A_133 = vector.shape_cast %reduce_min3A_132 : vector<256xi32> to vector<256x1xi32>
        %lt3A_134 = arith.cmpf olt, %broadcast_in_dim3A_123, %min3A_99 : vector<256x1xf32>
        %eq3A_135 = arith.cmpf oeq, %broadcast_in_dim3A_123, %min3A_99 : vector<256x1xf32>
        %min3A_136 = arith.minsi %select_n3A_98, %broadcast_in_dim3A_133 : vector<256x1xi32>
        %select_n3A_137 = arith.select %eq3A_135, %min3A_136, %select_n3A_98 : vector<256x1xi1>, vector<256x1xi32>
        %select_n3A_138 = arith.select %lt3A_134, %broadcast_in_dim3A_133, %select_n3A_137 : vector<256x1xi1>, vector<256x1xi32>
        %min3A_139 = arith.minimumf %min3A_99, %broadcast_in_dim3A_123 : vector<256x1xf32>
        %scan3A_140 = arith.constant 2 : i32
        %scan3A_141 = arith.addi %scan3A_66, %scan3A_140 : i32
        %mul3A_142 = arith.constant 128 : i32
        %mul3A_143 = arith.muli %scan3A_141, %mul3A_142 : i32
        %multiple_of3A_144 = tpu.assume_multiple %mul3A_143, 128 : i32
        %get3A_145 = arith.constant 0 : index
        %get3A_146 = arith.index_cast %multiple_of3A_144 : i32 to index
        %get3A_147 = vector.load %arg5[%get3A_145, %get3A_146] : memref<256x4096xf32, #tpu.memory_space<vmem>>, vector<256x128xf32>
        %add3A_148 = vector.broadcast %multiple_of3A_144 : i32 to vector<256x128xi32>
        %add3A_149 = arith.addi %iota3A, %add3A_148 : vector<256x128xi32>
        %eq3A_150 = vector.broadcast %scan3A_40 : vector<256x1xi32> to vector<256x128xi32>
        %eq3A_151 = arith.cmpi eq, %add3A_149, %eq3A_150 : vector<256x128xi32>
        %convert_element_type3A_152 = arith.extui %eq3A_151 : vector<256x128xi1> to vector<256x128xi32>
        %convert_element_type3A_153 = arith.sitofp %convert_element_type3A_152 : vector<256x128xi32> to vector<256x128xf32>
        %mul3A_154 = arith.constant 1.000000e+30 : f32
        %mul3A_155 = vector.broadcast %mul3A_154 : f32 to vector<256x128xf32>
        %mul3A_156 = arith.mulf %convert_element_type3A_153, %mul3A_155 : vector<256x128xf32>
        %add3A_157 = arith.addf %get3A_147, %mul3A_156 : vector<256x128xf32>
        %swap3A_158 = arith.constant 0 : index
        %swap3A_159 = arith.index_cast %multiple_of3A_144 : i32 to index
        %swap3A_160 = vector.load %arg5[%swap3A_158, %swap3A_159] : memref<256x4096xf32, #tpu.memory_space<vmem>>, vector<256x128xf32>
        tpu.vector_store %arg5[%swap3A_158, %swap3A_159], %add3A_157 {strides = array<i32>} : memref<256x4096xf32, #tpu.memory_space<vmem>>, vector<256x128xf32>,
        %reduce_min3A_161 = arith.constant dense<0x7F800000> : vector<256xf32>
        %reduce_min3A_162 = vector.multi_reduction <minimumf>, %add3A_157, %reduce_min3A_161 [1] : vector<256x128xf32> to vector<256xf32>
        %broadcast_in_dim3A_163 = vector.shape_cast %reduce_min3A_162 : vector<256xf32> to vector<256x1xf32>
        %ne3A_164 = vector.broadcast %broadcast_in_dim3A_163 : vector<256x1xf32> to vector<256x128xf32>
        %ne3A_165 = arith.cmpf one, %add3A_157, %ne3A_164 : vector<256x128xf32>
        %convert_element_type3A_166 = arith.extui %ne3A_165 : vector<256x128xi1> to vector<256x128xi32>
        %mul3A_167 = arith.constant 1073741824 : i32
        %mul3A_168 = vector.broadcast %mul3A_167 : i32 to vector<256x128xi32>
        %mul3A_169 = arith.muli %convert_element_type3A_166, %mul3A_168 : vector<256x128xi32>
        %add3A_170 = arith.addi %add3A_149, %mul3A_169 : vector<256x128xi32>
        %reduce_min3A_171 = arith.constant dense<2147483647> : vector<256xi32>
        %reduce_min3A_172 = vector.multi_reduction <minsi>, %add3A_170, %reduce_min3A_171 [1] : vector<256x128xi32> to vector<256xi32>
        %broadcast_in_dim3A_173 = vector.shape_cast %reduce_min3A_172 : vector<256xi32> to vector<256x1xi32>
        %lt3A_174 = arith.cmpf olt, %broadcast_in_dim3A_163, %min3A_139 : vector<256x1xf32>
        %eq3A_175 = arith.cmpf oeq, %broadcast_in_dim3A_163, %min3A_139 : vector<256x1xf32>
        %min3A_176 = arith.minsi %select_n3A_138, %broadcast_in_dim3A_173 : vector<256x1xi32>
        %select_n3A_177 = arith.select %eq3A_175, %min3A_176, %select_n3A_138 : vector<256x1xi1>, vector<256x1xi32>
        %select_n3A_178 = arith.select %lt3A_174, %broadcast_in_dim3A_173, %select_n3A_177 : vector<256x1xi1>, vector<256x1xi32>
        %min3A_179 = arith.minimumf %min3A_139, %broadcast_in_dim3A_163 : vector<256x1xf32>
        %scan3A_180 = arith.constant 3 : i32
        %scan3A_181 = arith.addi %scan3A_66, %scan3A_180 : i32
        %mul3A_182 = arith.constant 128 : i32
        %mul3A_183 = arith.muli %scan3A_181, %mul3A_182 : i32
        %multiple_of3A_184 = tpu.assume_multiple %mul3A_183, 128 : i32
        %get3A_185 = arith.constant 0 : index
        %get3A_186 = arith.index_cast %multiple_of3A_184 : i32 to index
        %get3A_187 = vector.load %arg5[%get3A_185, %get3A_186] : memref<256x4096xf32, #tpu.memory_space<vmem>>, vector<256x128xf32>
        %add3A_188 = vector.broadcast %multiple_of3A_184 : i32 to vector<256x128xi32>
        %add3A_189 = arith.addi %iota3A, %add3A_188 : vector<256x128xi32>
        %eq3A_190 = vector.broadcast %scan3A_40 : vector<256x1xi32> to vector<256x128xi32>
        %eq3A_191 = arith.cmpi eq, %add3A_189, %eq3A_190 : vector<256x128xi32>
        %convert_element_type3A_192 = arith.extui %eq3A_191 : vector<256x128xi1> to vector<256x128xi32>
        %convert_element_type3A_193 = arith.sitofp %convert_element_type3A_192 : vector<256x128xi32> to vector<256x128xf32>
        %mul3A_194 = arith.constant 1.000000e+30 : f32
        %mul3A_195 = vector.broadcast %mul3A_194 : f32 to vector<256x128xf32>
        %mul3A_196 = arith.mulf %convert_element_type3A_193, %mul3A_195 : vector<256x128xf32>
        %add3A_197 = arith.addf %get3A_187, %mul3A_196 : vector<256x128xf32>
        %swap3A_198 = arith.constant 0 : index
        %swap3A_199 = arith.index_cast %multiple_of3A_184 : i32 to index
        %swap3A_200 = vector.load %arg5[%swap3A_198, %swap3A_199] : memref<256x4096xf32, #tpu.memory_space<vmem>>, vector<256x128xf32>
        tpu.vector_store %arg5[%swap3A_198, %swap3A_199], %add3A_197 {strides = array<i32>} : memref<256x4096xf32, #tpu.memory_space<vmem>>, vector<256x128xf32>,
        %reduce_min3A_201 = arith.constant dense<0x7F800000> : vector<256xf32>
        %reduce_min3A_202 = vector.multi_reduction <minimumf>, %add3A_197, %reduce_min3A_201 [1] : vector<256x128xf32> to vector<256xf32>
        %broadcast_in_dim3A_203 = vector.shape_cast %reduce_min3A_202 : vector<256xf32> to vector<256x1xf32>
        %ne3A_204 = vector.broadcast %broadcast_in_dim3A_203 : vector<256x1xf32> to vector<256x128xf32>
        %ne3A_205 = arith.cmpf one, %add3A_197, %ne3A_204 : vector<256x128xf32>
        %convert_element_type3A_206 = arith.extui %ne3A_205 : vector<256x128xi1> to vector<256x128xi32>
        %mul3A_207 = arith.constant 1073741824 : i32
        %mul3A_208 = vector.broadcast %mul3A_207 : i32 to vector<256x128xi32>
        %mul3A_209 = arith.muli %convert_element_type3A_206, %mul3A_208 : vector<256x128xi32>
        %add3A_210 = arith.addi %add3A_189, %mul3A_209 : vector<256x128xi32>
        %reduce_min3A_211 = arith.constant dense<2147483647> : vector<256xi32>
        %reduce_min3A_212 = vector.multi_reduction <minsi>, %add3A_210, %reduce_min3A_211 [1] : vector<256x128xi32> to vector<256xi32>
        %broadcast_in_dim3A_213 = vector.shape_cast %reduce_min3A_212 : vector<256xi32> to vector<256x1xi32>
        %lt3A_214 = arith.cmpf olt, %broadcast_in_dim3A_203, %min3A_179 : vector<256x1xf32>
        %eq3A_215 = arith.cmpf oeq, %broadcast_in_dim3A_203, %min3A_179 : vector<256x1xf32>
        %min3A_216 = arith.minsi %select_n3A_178, %broadcast_in_dim3A_213 : vector<256x1xi32>
        %select_n3A_217 = arith.select %eq3A_215, %min3A_216, %select_n3A_178 : vector<256x1xi1>, vector<256x1xi32>
        %select_n3A_218 = arith.select %lt3A_214, %broadcast_in_dim3A_213, %select_n3A_217 : vector<256x1xi1>, vector<256x1xi32>
        %min3A_219 = arith.minimumf %min3A_179, %broadcast_in_dim3A_203 : vector<256x1xf32>
        %scan3A_220 = arith.constant 4 : i32
        %scan3A_221 = arith.addi %scan3A_66, %scan3A_220 : i32
        %mul3A_222 = arith.constant 128 : i32
        %mul3A_223 = arith.muli %scan3A_221, %mul3A_222 : i32
        %multiple_of3A_224 = tpu.assume_multiple %mul3A_223, 128 : i32
        %get3A_225 = arith.constant 0 : index
        %get3A_226 = arith.index_cast %multiple_of3A_224 : i32 to index
        %get3A_227 = vector.load %arg5[%get3A_225, %get3A_226] : memref<256x4096xf32, #tpu.memory_space<vmem>>, vector<256x128xf32>
        %add3A_228 = vector.broadcast %multiple_of3A_224 : i32 to vector<256x128xi32>
        %add3A_229 = arith.addi %iota3A, %add3A_228 : vector<256x128xi32>
        %eq3A_230 = vector.broadcast %scan3A_40 : vector<256x1xi32> to vector<256x128xi32>
        %eq3A_231 = arith.cmpi eq, %add3A_229, %eq3A_230 : vector<256x128xi32>
        %convert_element_type3A_232 = arith.extui %eq3A_231 : vector<256x128xi1> to vector<256x128xi32>
        %convert_element_type3A_233 = arith.sitofp %convert_element_type3A_232 : vector<256x128xi32> to vector<256x128xf32>
        %mul3A_234 = arith.constant 1.000000e+30 : f32
        %mul3A_235 = vector.broadcast %mul3A_234 : f32 to vector<256x128xf32>
        %mul3A_236 = arith.mulf %convert_element_type3A_233, %mul3A_235 : vector<256x128xf32>
        %add3A_237 = arith.addf %get3A_227, %mul3A_236 : vector<256x128xf32>
        %swap3A_238 = arith.constant 0 : index
        %swap3A_239 = arith.index_cast %multiple_of3A_224 : i32 to index
        %swap3A_240 = vector.load %arg5[%swap3A_238, %swap3A_239] : memref<256x4096xf32, #tpu.memory_space<vmem>>, vector<256x128xf32>
        tpu.vector_store %arg5[%swap3A_238, %swap3A_239], %add3A_237 {strides = array<i32>} : memref<256x4096xf32, #tpu.memory_space<vmem>>, vector<256x128xf32>,
        %reduce_min3A_241 = arith.constant dense<0x7F800000> : vector<256xf32>
        %reduce_min3A_242 = vector.multi_reduction <minimumf>, %add3A_237, %reduce_min3A_241 [1] : vector<256x128xf32> to vector<256xf32>
        %broadcast_in_dim3A_243 = vector.shape_cast %reduce_min3A_242 : vector<256xf32> to vector<256x1xf32>
        %ne3A_244 = vector.broadcast %broadcast_in_dim3A_243 : vector<256x1xf32> to vector<256x128xf32>
        %ne3A_245 = arith.cmpf one, %add3A_237, %ne3A_244 : vector<256x128xf32>
        %convert_element_type3A_246 = arith.extui %ne3A_245 : vector<256x128xi1> to vector<256x128xi32>
        %mul3A_247 = arith.constant 1073741824 : i32
        %mul3A_248 = vector.broadcast %mul3A_247 : i32 to vector<256x128xi32>
        %mul3A_249 = arith.muli %convert_element_type3A_246, %mul3A_248 : vector<256x128xi32>
        %add3A_250 = arith.addi %add3A_229, %mul3A_249 : vector<256x128xi32>
        %reduce_min3A_251 = arith.constant dense<2147483647> : vector<256xi32>
        %reduce_min3A_252 = vector.multi_reduction <minsi>, %add3A_250, %reduce_min3A_251 [1] : vector<256x128xi32> to vector<256xi32>
        %broadcast_in_dim3A_253 = vector.shape_cast %reduce_min3A_252 : vector<256xi32> to vector<256x1xi32>
        %lt3A_254 = arith.cmpf olt, %broadcast_in_dim3A_243, %min3A_219 : vector<256x1xf32>
        %eq3A_255 = arith.cmpf oeq, %broadcast_in_dim3A_243, %min3A_219 : vector<256x1xf32>
        %min3A_256 = arith.minsi %select_n3A_218, %broadcast_in_dim3A_253 : vector<256x1xi32>
        %select_n3A_257 = arith.select %eq3A_255, %min3A_256, %select_n3A_218 : vector<256x1xi1>, vector<256x1xi32>
        %select_n3A_258 = arith.select %lt3A_254, %broadcast_in_dim3A_253, %select_n3A_257 : vector<256x1xi1>, vector<256x1xi32>
        %min3A_259 = arith.minimumf %min3A_219, %broadcast_in_dim3A_243 : vector<256x1xf32>
        %scan3A_260 = arith.constant 5 : i32
        %scan3A_261 = arith.addi %scan3A_66, %scan3A_260 : i32
        %mul3A_262 = arith.constant 128 : i32
        %mul3A_263 = arith.muli %scan3A_261, %mul3A_262 : i32
        %multiple_of3A_264 = tpu.assume_multiple %mul3A_263, 128 : i32
        %get3A_265 = arith.constant 0 : index
        %get3A_266 = arith.index_cast %multiple_of3A_264 : i32 to index
        %get3A_267 = vector.load %arg5[%get3A_265, %get3A_266] : memref<256x4096xf32, #tpu.memory_space<vmem>>, vector<256x128xf32>
        %add3A_268 = vector.broadcast %multiple_of3A_264 : i32 to vector<256x128xi32>
        %add3A_269 = arith.addi %iota3A, %add3A_268 : vector<256x128xi32>
        %eq3A_270 = vector.broadcast %scan3A_40 : vector<256x1xi32> to vector<256x128xi32>
        %eq3A_271 = arith.cmpi eq, %add3A_269, %eq3A_270 : vector<256x128xi32>
        %convert_element_type3A_272 = arith.extui %eq3A_271 : vector<256x128xi1> to vector<256x128xi32>
        %convert_element_type3A_273 = arith.sitofp %convert_element_type3A_272 : vector<256x128xi32> to vector<256x128xf32>
        %mul3A_274 = arith.constant 1.000000e+30 : f32
        %mul3A_275 = vector.broadcast %mul3A_274 : f32 to vector<256x128xf32>
        %mul3A_276 = arith.mulf %convert_element_type3A_273, %mul3A_275 : vector<256x128xf32>
        %add3A_277 = arith.addf %get3A_267, %mul3A_276 : vector<256x128xf32>
        %swap3A_278 = arith.constant 0 : index
        %swap3A_279 = arith.index_cast %multiple_of3A_264 : i32 to index
        %swap3A_280 = vector.load %arg5[%swap3A_278, %swap3A_279] : memref<256x4096xf32, #tpu.memory_space<vmem>>, vector<256x128xf32>
        tpu.vector_store %arg5[%swap3A_278, %swap3A_279], %add3A_277 {strides = array<i32>} : memref<256x4096xf32, #tpu.memory_space<vmem>>, vector<256x128xf32>,
        %reduce_min3A_281 = arith.constant dense<0x7F800000> : vector<256xf32>
        %reduce_min3A_282 = vector.multi_reduction <minimumf>, %add3A_277, %reduce_min3A_281 [1] : vector<256x128xf32> to vector<256xf32>
        %broadcast_in_dim3A_283 = vector.shape_cast %reduce_min3A_282 : vector<256xf32> to vector<256x1xf32>
        %ne3A_284 = vector.broadcast %broadcast_in_dim3A_283 : vector<256x1xf32> to vector<256x128xf32>
        %ne3A_285 = arith.cmpf one, %add3A_277, %ne3A_284 : vector<256x128xf32>
        %convert_element_type3A_286 = arith.extui %ne3A_285 : vector<256x128xi1> to vector<256x128xi32>
        %mul3A_287 = arith.constant 1073741824 : i32
        %mul3A_288 = vector.broadcast %mul3A_287 : i32 to vector<256x128xi32>
        %mul3A_289 = arith.muli %convert_element_type3A_286, %mul3A_288 : vector<256x128xi32>
        %add3A_290 = arith.addi %add3A_269, %mul3A_289 : vector<256x128xi32>
        %reduce_min3A_291 = arith.constant dense<2147483647> : vector<256xi32>
        %reduce_min3A_292 = vector.multi_reduction <minsi>, %add3A_290, %reduce_min3A_291 [1] : vector<256x128xi32> to vector<256xi32>
        %broadcast_in_dim3A_293 = vector.shape_cast %reduce_min3A_292 : vector<256xi32> to vector<256x1xi32>
        %lt3A_294 = arith.cmpf olt, %broadcast_in_dim3A_283, %min3A_259 : vector<256x1xf32>
        %eq3A_295 = arith.cmpf oeq, %broadcast_in_dim3A_283, %min3A_259 : vector<256x1xf32>
        %min3A_296 = arith.minsi %select_n3A_258, %broadcast_in_dim3A_293 : vector<256x1xi32>
        %select_n3A_297 = arith.select %eq3A_295, %min3A_296, %select_n3A_258 : vector<256x1xi1>, vector<256x1xi32>
        %select_n3A_298 = arith.select %lt3A_294, %broadcast_in_dim3A_293, %select_n3A_297 : vector<256x1xi1>, vector<256x1xi32>
        %min3A_299 = arith.minimumf %min3A_259, %broadcast_in_dim3A_283 : vector<256x1xf32>
        %scan3A_300 = arith.constant 6 : i32
        %scan3A_301 = arith.addi %scan3A_66, %scan3A_300 : i32
        %mul3A_302 = arith.constant 128 : i32
        %mul3A_303 = arith.muli %scan3A_301, %mul3A_302 : i32
        %multiple_of3A_304 = tpu.assume_multiple %mul3A_303, 128 : i32
        %get3A_305 = arith.constant 0 : index
        %get3A_306 = arith.index_cast %multiple_of3A_304 : i32 to index
        %get3A_307 = vector.load %arg5[%get3A_305, %get3A_306] : memref<256x4096xf32, #tpu.memory_space<vmem>>, vector<256x128xf32>
        %add3A_308 = vector.broadcast %multiple_of3A_304 : i32 to vector<256x128xi32>
        %add3A_309 = arith.addi %iota3A, %add3A_308 : vector<256x128xi32>
        %eq3A_310 = vector.broadcast %scan3A_40 : vector<256x1xi32> to vector<256x128xi32>
        %eq3A_311 = arith.cmpi eq, %add3A_309, %eq3A_310 : vector<256x128xi32>
        %convert_element_type3A_312 = arith.extui %eq3A_311 : vector<256x128xi1> to vector<256x128xi32>
        %convert_element_type3A_313 = arith.sitofp %convert_element_type3A_312 : vector<256x128xi32> to vector<256x128xf32>
        %mul3A_314 = arith.constant 1.000000e+30 : f32
        %mul3A_315 = vector.broadcast %mul3A_314 : f32 to vector<256x128xf32>
        %mul3A_316 = arith.mulf %convert_element_type3A_313, %mul3A_315 : vector<256x128xf32>
        %add3A_317 = arith.addf %get3A_307, %mul3A_316 : vector<256x128xf32>
        %swap3A_318 = arith.constant 0 : index
        %swap3A_319 = arith.index_cast %multiple_of3A_304 : i32 to index
        %swap3A_320 = vector.load %arg5[%swap3A_318, %swap3A_319] : memref<256x4096xf32, #tpu.memory_space<vmem>>, vector<256x128xf32>
        tpu.vector_store %arg5[%swap3A_318, %swap3A_319], %add3A_317 {strides = array<i32>} : memref<256x4096xf32, #tpu.memory_space<vmem>>, vector<256x128xf32>,
        %reduce_min3A_321 = arith.constant dense<0x7F800000> : vector<256xf32>
        %reduce_min3A_322 = vector.multi_reduction <minimumf>, %add3A_317, %reduce_min3A_321 [1] : vector<256x128xf32> to vector<256xf32>
        %broadcast_in_dim3A_323 = vector.shape_cast %reduce_min3A_322 : vector<256xf32> to vector<256x1xf32>
        %ne3A_324 = vector.broadcast %broadcast_in_dim3A_323 : vector<256x1xf32> to vector<256x128xf32>
        %ne3A_325 = arith.cmpf one, %add3A_317, %ne3A_324 : vector<256x128xf32>
        %convert_element_type3A_326 = arith.extui %ne3A_325 : vector<256x128xi1> to vector<256x128xi32>
        %mul3A_327 = arith.constant 1073741824 : i32
        %mul3A_328 = vector.broadcast %mul3A_327 : i32 to vector<256x128xi32>
        %mul3A_329 = arith.muli %convert_element_type3A_326, %mul3A_328 : vector<256x128xi32>
        %add3A_330 = arith.addi %add3A_309, %mul3A_329 : vector<256x128xi32>
        %reduce_min3A_331 = arith.constant dense<2147483647> : vector<256xi32>
        %reduce_min3A_332 = vector.multi_reduction <minsi>, %add3A_330, %reduce_min3A_331 [1] : vector<256x128xi32> to vector<256xi32>
        %broadcast_in_dim3A_333 = vector.shape_cast %reduce_min3A_332 : vector<256xi32> to vector<256x1xi32>
        %lt3A_334 = arith.cmpf olt, %broadcast_in_dim3A_323, %min3A_299 : vector<256x1xf32>
        %eq3A_335 = arith.cmpf oeq, %broadcast_in_dim3A_323, %min3A_299 : vector<256x1xf32>
        %min3A_336 = arith.minsi %select_n3A_298, %broadcast_in_dim3A_333 : vector<256x1xi32>
        %select_n3A_337 = arith.select %eq3A_335, %min3A_336, %select_n3A_298 : vector<256x1xi1>, vector<256x1xi32>
        %select_n3A_338 = arith.select %lt3A_334, %broadcast_in_dim3A_333, %select_n3A_337 : vector<256x1xi1>, vector<256x1xi32>
        %min3A_339 = arith.minimumf %min3A_299, %broadcast_in_dim3A_323 : vector<256x1xf32>
        %scan3A_340 = arith.constant 7 : i32
        %scan3A_341 = arith.addi %scan3A_66, %scan3A_340 : i32
        %mul3A_342 = arith.constant 128 : i32
        %mul3A_343 = arith.muli %scan3A_341, %mul3A_342 : i32
        %multiple_of3A_344 = tpu.assume_multiple %mul3A_343, 128 : i32
        %get3A_345 = arith.constant 0 : index
        %get3A_346 = arith.index_cast %multiple_of3A_344 : i32 to index
        %get3A_347 = vector.load %arg5[%get3A_345, %get3A_346] : memref<256x4096xf32, #tpu.memory_space<vmem>>, vector<256x128xf32>
        %add3A_348 = vector.broadcast %multiple_of3A_344 : i32 to vector<256x128xi32>
        %add3A_349 = arith.addi %iota3A, %add3A_348 : vector<256x128xi32>
        %eq3A_350 = vector.broadcast %scan3A_40 : vector<256x1xi32> to vector<256x128xi32>
        %eq3A_351 = arith.cmpi eq, %add3A_349, %eq3A_350 : vector<256x128xi32>
        %convert_element_type3A_352 = arith.extui %eq3A_351 : vector<256x128xi1> to vector<256x128xi32>
        %convert_element_type3A_353 = arith.sitofp %convert_element_type3A_352 : vector<256x128xi32> to vector<256x128xf32>
        %mul3A_354 = arith.constant 1.000000e+30 : f32
        %mul3A_355 = vector.broadcast %mul3A_354 : f32 to vector<256x128xf32>
        %mul3A_356 = arith.mulf %convert_element_type3A_353, %mul3A_355 : vector<256x128xf32>
        %add3A_357 = arith.addf %get3A_347, %mul3A_356 : vector<256x128xf32>
        %swap3A_358 = arith.constant 0 : index
        %swap3A_359 = arith.index_cast %multiple_of3A_344 : i32 to index
        %swap3A_360 = vector.load %arg5[%swap3A_358, %swap3A_359] : memref<256x4096xf32, #tpu.memory_space<vmem>>, vector<256x128xf32>
        tpu.vector_store %arg5[%swap3A_358, %swap3A_359], %add3A_357 {strides = array<i32>} : memref<256x4096xf32, #tpu.memory_space<vmem>>, vector<256x128xf32>,
        %reduce_min3A_361 = arith.constant dense<0x7F800000> : vector<256xf32>
        %reduce_min3A_362 = vector.multi_reduction <minimumf>, %add3A_357, %reduce_min3A_361 [1] : vector<256x128xf32> to vector<256xf32>
        %broadcast_in_dim3A_363 = vector.shape_cast %reduce_min3A_362 : vector<256xf32> to vector<256x1xf32>
        %ne3A_364 = vector.broadcast %broadcast_in_dim3A_363 : vector<256x1xf32> to vector<256x128xf32>
        %ne3A_365 = arith.cmpf one, %add3A_357, %ne3A_364 : vector<256x128xf32>
        %convert_element_type3A_366 = arith.extui %ne3A_365 : vector<256x128xi1> to vector<256x128xi32>
        %mul3A_367 = arith.constant 1073741824 : i32
        %mul3A_368 = vector.broadcast %mul3A_367 : i32 to vector<256x128xi32>
        %mul3A_369 = arith.muli %convert_element_type3A_366, %mul3A_368 : vector<256x128xi32>
        %add3A_370 = arith.addi %add3A_349, %mul3A_369 : vector<256x128xi32>
        %reduce_min3A_371 = arith.constant dense<2147483647> : vector<256xi32>
        %reduce_min3A_372 = vector.multi_reduction <minsi>, %add3A_370, %reduce_min3A_371 [1] : vector<256x128xi32> to vector<256xi32>
        %broadcast_in_dim3A_373 = vector.shape_cast %reduce_min3A_372 : vector<256xi32> to vector<256x1xi32>
        %lt3A_374 = arith.cmpf olt, %broadcast_in_dim3A_363, %min3A_339 : vector<256x1xf32>
        %eq3A_375 = arith.cmpf oeq, %broadcast_in_dim3A_363, %min3A_339 : vector<256x1xf32>
        %min3A_376 = arith.minsi %select_n3A_338, %broadcast_in_dim3A_373 : vector<256x1xi32>
        %select_n3A_377 = arith.select %eq3A_375, %min3A_376, %select_n3A_338 : vector<256x1xi1>, vector<256x1xi32>
        %select_n3A_378 = arith.select %lt3A_374, %broadcast_in_dim3A_373, %select_n3A_377 : vector<256x1xi1>, vector<256x1xi32>
        %min3A_379 = arith.minimumf %min3A_339, %broadcast_in_dim3A_363 : vector<256x1xf32>
        scf.yield %min3A_379, %select_n3A_378 : vector<256x1xf32>, vector<256x1xi32>
      }
      %scan3A_60 = arith.constant 32 : i32
      %eq3A = vector.broadcast %scan3A_39 : i32 to vector<256x16xi32>
      %eq3A_61 = arith.cmpi eq, %iota3A_12, %eq3A : vector<256x16xi32>
      %convert_element_type3A_62 = arith.extui %eq3A_61 : vector<256x16xi1> to vector<256x16xi32>
      %mul3A_63 = vector.broadcast %scan3A_59#1 : vector<256x1xi32> to vector<256x16xi32>
      %mul3A_64 = arith.muli %convert_element_type3A_62, %mul3A_63 : vector<256x16xi32>
      %add3A_65 = arith.addi %scan3A_41, %mul3A_64 : vector<256x16xi32>
      scf.yield %scan3A_59#1, %add3A_65 : vector<256x1xi32>, vector<256x16xi32>
    }
    %scan3A_29 = arith.constant 16 : i32
    %mul3A_30 = arith.constant 4096 : i32
    %mul3A_31 = arith.muli %arg0, %mul3A_30 : i32
    %add3A_32 = vector.broadcast %mul3A_31 : i32 to vector<256x16xi32>
    %add3A_33 = arith.addi %scan3A_28#1, %add3A_32 : vector<256x16xi32>
    %swap3A = arith.constant 0 : index
    %swap3A_34 = arith.constant 0 : index
    %swap3A_35 = arith.constant 0 : index
    %swap3A_36 = vector.load %arg4[%swap3A, %swap3A_34, %swap3A_35] : memref<1x256x16xi32, #tpu.memory_space<vmem>>, vector<1x256x16xi32>
    %swap3A_37 = vector.shape_cast %swap3A_36 : vector<1x256x16xi32> to vector<256x16xi32>
    %swap3A_38 = vector.shape_cast %add3A_33 : vector<256x16xi32> to vector<1x256x16xi32>
    tpu.vector_store %arg4[%swap3A, %swap3A_34, %swap3A_35], %swap3A_38 {strides = array<i32>} : memref<1x256x16xi32, #tpu.memory_space<vmem>>, vector<1x256x16xi32>,
    return
  }
  func.func @transform_0(%arg0: i32, %arg1: i32) -> (i32, i32, i32) {
    %c0_i32 = arith.constant 0 : i32
    %c0_i32_0 = arith.constant 0 : i32
    return %arg0, %arg1, %c0_i32 : i32, i32, i32
  }
  func.func @transform_1(%arg0: i32, %arg1: i32) -> (i32, i32, i32) {
    %c0_i32 = arith.constant 0 : i32
    %c0_i32_0 = arith.constant 0 : i32
    %c0_i32_1 = arith.constant 0 : i32
    return %arg0, %c0_i32, %c0_i32_0 : i32, i32, i32
  }
  func.func @transform_2(%arg0: i32, %arg1: i32) -> (i32, i32, i32) {
    %c0_i32 = arith.constant 0 : i32
    %c0_i32_0 = arith.constant 0 : i32
    return %arg0, %arg1, %c0_i32 : i32, i32, i32
  }
}

module attributes {stable_mosaic.version = 14 : i64} {
  func.func @_fc_body(%arg0: memref<128x32xf32, #tpu.memory_space<vmem>>, %arg1: memref<32x64xf32, #tpu.memory_space<vmem>>, %arg2: memref<1x64xf32, #tpu.memory_space<vmem>>, %arg3: memref<64x64xf32, #tpu.memory_space<vmem>>, %arg4: memref<1x64xf32, #tpu.memory_space<vmem>>, %arg5: memref<128x64xf32, #tpu.memory_space<vmem>>) attributes {dimension_semantics = [], scalar_prefetch = 0 : i64, scratch_operands = 0 : i64, tpu.core_type = #tpu.core_type<tc>} {
    %get3A = arith.constant 0 : index
    %get3A_0 = arith.constant 0 : index
    %get3A_1 = vector.load %arg0[%get3A, %get3A_0] : memref<128x32xf32, #tpu.memory_space<vmem>>, vector<128x32xf32>
    %get3A_2 = arith.constant 0 : index
    %get3A_3 = arith.constant 0 : index
    %get3A_4 = vector.load %arg1[%get3A_2, %get3A_3] : memref<32x64xf32, #tpu.memory_space<vmem>>, vector<32x64xf32>
    %dot_general3A = arith.constant dense<0.000000e+00> : vector<128x64xf32>
    %dot_general3A_5 = tpu.matmul %get3A_1, %get3A_4, %dot_general3A {dimension_numbers = #tpu.dot_dimension_numbers<[1], [0], [0], [1], [0, 0, 1, 1], [], []>, transpose_lhs_hint = false} : vector<128x32xf32>, vector<32x64xf32>, vector<128x64xf32> -> vector<128x64xf32>
    %get3A_6 = arith.constant 0 : index
    %get3A_7 = arith.constant 0 : index
    %get3A_8 = vector.load %arg2[%get3A_6, %get3A_7] : memref<1x64xf32, #tpu.memory_space<vmem>>, vector<1x64xf32>
    %add3A = vector.broadcast %get3A_8 : vector<1x64xf32> to vector<128x64xf32>
    %add3A_9 = arith.addf %dot_general3A_5, %add3A : vector<128x64xf32>
    %max3A = arith.constant 0.000000e+00 : f32
    %max3A_10 = vector.broadcast %max3A : f32 to vector<128x64xf32>
    %max3A_11 = arith.maximumf %add3A_9, %max3A_10 : vector<128x64xf32>
    %get3A_12 = arith.constant 0 : index
    %get3A_13 = arith.constant 0 : index
    %get3A_14 = vector.load %arg3[%get3A_12, %get3A_13] : memref<64x64xf32, #tpu.memory_space<vmem>>, vector<64x64xf32>
    %dot_general3A_15 = arith.constant dense<0.000000e+00> : vector<128x64xf32>
    %dot_general3A_16 = tpu.matmul %max3A_11, %get3A_14, %dot_general3A_15 {dimension_numbers = #tpu.dot_dimension_numbers<[1], [0], [0], [1], [0, 0, 1, 1], [], []>, transpose_lhs_hint = false} : vector<128x64xf32>, vector<64x64xf32>, vector<128x64xf32> -> vector<128x64xf32>
    %get3A_17 = arith.constant 0 : index
    %get3A_18 = arith.constant 0 : index
    %get3A_19 = vector.load %arg4[%get3A_17, %get3A_18] : memref<1x64xf32, #tpu.memory_space<vmem>>, vector<1x64xf32>
    %add3A_20 = vector.broadcast %get3A_19 : vector<1x64xf32> to vector<128x64xf32>
    %add3A_21 = arith.addf %dot_general3A_16, %add3A_20 : vector<128x64xf32>
    %swap3A = arith.constant 0 : index
    %swap3A_22 = arith.constant 0 : index
    %swap3A_23 = vector.load %arg5[%swap3A, %swap3A_22] : memref<128x64xf32, #tpu.memory_space<vmem>>, vector<128x64xf32>
    tpu.vector_store %arg5[%swap3A, %swap3A_22], %add3A_21 {strides = array<i32>} : memref<128x64xf32, #tpu.memory_space<vmem>>, vector<128x64xf32>,
    return
  }
}

module attributes {stable_mosaic.version = 14 : i64} {
  func.func @_mlp1_body(%arg0: i32, %arg1: memref<2048x48xf32, #tpu.memory_space<vmem>>, %arg2: memref<2048x48xf32, #tpu.memory_space<vmem>>, %arg3: memref<48x64xf32, #tpu.memory_space<vmem>>, %arg4: memref<1x64xf32, #tpu.memory_space<vmem>>, %arg5: memref<2048x64xf32, #tpu.memory_space<vmem>>, %arg6: memref<8x64xf32, #tpu.memory_space<vmem>>) attributes {dimension_semantics = [#tpu.dimension_semantics<arbitrary>], iteration_bounds = array<i64: 64>, scalar_prefetch = 0 : i64, scratch_operands = 0 : i64, tpu.core_type = #tpu.core_type<tc>, window_params = [{transform_indices = @transform_0, window_bounds = array<i64: 2048, 48>}, {transform_indices = @transform_1, window_bounds = array<i64: 2048, 48>}, {pipeline_mode = #tpu.pipeline_mode<synchronous>, transform_indices = @transform_2, window_bounds = array<i64: 48, 64>}, {pipeline_mode = #tpu.pipeline_mode<synchronous>, transform_indices = @transform_3, window_bounds = array<i64: 1, 64>}, {transform_indices = @transform_4, window_bounds = array<i64: 2048, 64>}, {pipeline_mode = #tpu.pipeline_mode<synchronous>, transform_indices = @transform_5, window_bounds = array<i64: 8, 64>}]} {
    %get3A = arith.constant 0 : index
    %get3A_0 = arith.constant 0 : index
    %get3A_1 = vector.load %arg1[%get3A, %get3A_0] : memref<2048x48xf32, #tpu.memory_space<vmem>>, vector<2048x48xf32>
    %get3A_2 = arith.constant 0 : index
    %get3A_3 = arith.constant 0 : index
    %get3A_4 = vector.load %arg2[%get3A_2, %get3A_3] : memref<2048x48xf32, #tpu.memory_space<vmem>>, vector<2048x48xf32>
    %sub3A = arith.subf %get3A_1, %get3A_4 : vector<2048x48xf32>
    %get3A_5 = arith.constant 0 : index
    %get3A_6 = arith.constant 0 : index
    %get3A_7 = vector.load %arg3[%get3A_5, %get3A_6] : memref<48x64xf32, #tpu.memory_space<vmem>>, vector<48x64xf32>
    %dot_general3A = arith.constant dense<0.000000e+00> : vector<2048x64xf32>
    %dot_general3A_8 = tpu.matmul %sub3A, %get3A_7, %dot_general3A {dimension_numbers = #tpu.dot_dimension_numbers<[1], [0], [0], [1], [0, 0, 1, 1], [], []>, transpose_lhs_hint = false} : vector<2048x48xf32>, vector<48x64xf32>, vector<2048x64xf32> -> vector<2048x64xf32>
    %get3A_9 = arith.constant 0 : index
    %get3A_10 = arith.constant 0 : index
    %get3A_11 = vector.load %arg4[%get3A_9, %get3A_10] : memref<1x64xf32, #tpu.memory_space<vmem>>, vector<1x64xf32>
    %add3A = vector.broadcast %get3A_11 : vector<1x64xf32> to vector<2048x64xf32>
    %add3A_12 = arith.addf %dot_general3A_8, %add3A : vector<2048x64xf32>
    %swap3A = arith.constant 0 : index
    %swap3A_13 = arith.constant 0 : index
    %swap3A_14 = vector.load %arg5[%swap3A, %swap3A_13] : memref<2048x64xf32, #tpu.memory_space<vmem>>, vector<2048x64xf32>
    tpu.vector_store %arg5[%swap3A, %swap3A_13], %add3A_12 {strides = array<i32>} : memref<2048x64xf32, #tpu.memory_space<vmem>>, vector<2048x64xf32>,
    %reduce_sum3A = arith.constant dense<0.000000e+00> : vector<64xf32>
    %reduce_sum3A_15 = vector.multi_reduction <add>, %add3A_12, %reduce_sum3A [0] : vector<2048x64xf32> to vector<64xf32>
    %broadcast_in_dim3A = vector.shape_cast %reduce_sum3A_15 : vector<64xf32> to vector<1x64xf32>
    %mul3A = arith.mulf %add3A_12, %add3A_12 : vector<2048x64xf32>
    %reduce_sum3A_16 = arith.constant dense<0.000000e+00> : vector<64xf32>
    %reduce_sum3A_17 = vector.multi_reduction <add>, %mul3A, %reduce_sum3A_16 [0] : vector<2048x64xf32> to vector<64xf32>
    %broadcast_in_dim3A_18 = vector.shape_cast %reduce_sum3A_17 : vector<64xf32> to vector<1x64xf32>
    %broadcast_in_dim3A_19 = arith.constant 0.000000e+00 : f32
    %broadcast_in_dim3A_20 = vector.broadcast %broadcast_in_dim3A_19 : f32 to vector<6x64xf32>
    %concatenate3A = tpu.concatenate %broadcast_in_dim3A, %broadcast_in_dim3A_18, %broadcast_in_dim3A_20 in 0 : vector<1x64xf32>, vector<1x64xf32>, vector<6x64xf32> -> vector<8x64xf32>
    %eq3A = arith.constant 0 : i32
    %eq3A_21 = arith.cmpi eq, %arg0, %eq3A : i32
    %convert_element_type3A = arith.extui %eq3A_21 : i1 to i32
    %cond3A = arith.constant 0 : i32
    %cond3A_22 = arith.cmpi ne, %convert_element_type3A, %cond3A : i32
    scf.if %cond3A_22 {
      %broadcast_in_dim3A_30 = arith.constant 0.000000e+00 : f32
      %broadcast_in_dim3A_31 = vector.broadcast %broadcast_in_dim3A_30 : f32 to vector<8x64xf32>
      %swap3A_32 = arith.constant 0 : index
      %swap3A_33 = arith.constant 0 : index
      %swap3A_34 = vector.load %arg6[%swap3A_32, %swap3A_33] : memref<8x64xf32, #tpu.memory_space<vmem>>, vector<8x64xf32>
      tpu.vector_store %arg6[%swap3A_32, %swap3A_33], %broadcast_in_dim3A_31 {strides = array<i32>} : memref<8x64xf32, #tpu.memory_space<vmem>>, vector<8x64xf32>,
    } else {
    }
    %get3A_23 = arith.constant 0 : index
    %get3A_24 = arith.constant 0 : index
    %get3A_25 = vector.load %arg6[%get3A_23, %get3A_24] : memref<8x64xf32, #tpu.memory_space<vmem>>, vector<8x64xf32>
    %add3A_26 = arith.addf %get3A_25, %concatenate3A : vector<8x64xf32>
    %swap3A_27 = arith.constant 0 : index
    %swap3A_28 = arith.constant 0 : index
    %swap3A_29 = vector.load %arg6[%swap3A_27, %swap3A_28] : memref<8x64xf32, #tpu.memory_space<vmem>>, vector<8x64xf32>
    tpu.vector_store %arg6[%swap3A_27, %swap3A_28], %add3A_26 {strides = array<i32>} : memref<8x64xf32, #tpu.memory_space<vmem>>, vector<8x64xf32>,
    return
  }
  func.func @transform_0(%arg0: i32) -> (i32, i32) {
    %c0_i32 = arith.constant 0 : i32
    %c0_i32_0 = arith.constant 0 : i32
    return %arg0, %c0_i32 : i32, i32
  }
  func.func @transform_1(%arg0: i32) -> (i32, i32) {
    %c0_i32 = arith.constant 0 : i32
    %c0_i32_0 = arith.constant 0 : i32
    return %arg0, %c0_i32 : i32, i32
  }
  func.func @transform_2(%arg0: i32) -> (i32, i32) {
    %c0_i32 = arith.constant 0 : i32
    %c0_i32_0 = arith.constant 0 : i32
    %c0_i32_1 = arith.constant 0 : i32
    return %c0_i32, %c0_i32_0 : i32, i32
  }
  func.func @transform_3(%arg0: i32) -> (i32, i32) {
    %c0_i32 = arith.constant 0 : i32
    %c0_i32_0 = arith.constant 0 : i32
    %c0_i32_1 = arith.constant 0 : i32
    return %c0_i32, %c0_i32_0 : i32, i32
  }
  func.func @transform_4(%arg0: i32) -> (i32, i32) {
    %c0_i32 = arith.constant 0 : i32
    %c0_i32_0 = arith.constant 0 : i32
    return %arg0, %c0_i32 : i32, i32
  }
  func.func @transform_5(%arg0: i32) -> (i32, i32) {
    %c0_i32 = arith.constant 0 : i32
    %c0_i32_0 = arith.constant 0 : i32
    %c0_i32_1 = arith.constant 0 : i32
    return %c0_i32, %c0_i32_0 : i32, i32
  }
}

module attributes {stable_mosaic.version = 14 : i64} {
  func.func @_mlp2_body(%arg0: i32, %arg1: memref<2048x64xf32, #tpu.memory_space<vmem>>, %arg2: memref<8x64xf32, #tpu.memory_space<vmem>>, %arg3: memref<1x64xf32, #tpu.memory_space<vmem>>, %arg4: memref<1x64xf32, #tpu.memory_space<vmem>>, %arg5: memref<64x64xf32, #tpu.memory_space<vmem>>, %arg6: memref<1x64xf32, #tpu.memory_space<vmem>>, %arg7: memref<2048x64xf32, #tpu.memory_space<vmem>>, %arg8: memref<8x64xf32, #tpu.memory_space<vmem>>) attributes {dimension_semantics = [#tpu.dimension_semantics<arbitrary>], iteration_bounds = array<i64: 64>, scalar_prefetch = 0 : i64, scratch_operands = 0 : i64, tpu.core_type = #tpu.core_type<tc>, window_params = [{transform_indices = @transform_0, window_bounds = array<i64: 2048, 64>}, {pipeline_mode = #tpu.pipeline_mode<synchronous>, transform_indices = @transform_1, window_bounds = array<i64: 8, 64>}, {pipeline_mode = #tpu.pipeline_mode<synchronous>, transform_indices = @transform_2, window_bounds = array<i64: 1, 64>}, {pipeline_mode = #tpu.pipeline_mode<synchronous>, transform_indices = @transform_3, window_bounds = array<i64: 1, 64>}, {pipeline_mode = #tpu.pipeline_mode<synchronous>, transform_indices = @transform_4, window_bounds = array<i64: 64, 64>}, {pipeline_mode = #tpu.pipeline_mode<synchronous>, transform_indices = @transform_5, window_bounds = array<i64: 1, 64>}, {transform_indices = @transform_6, window_bounds = array<i64: 2048, 64>}, {pipeline_mode = #tpu.pipeline_mode<synchronous>, transform_indices = @transform_7, window_bounds = array<i64: 8, 64>}]} {
    %get3A = arith.constant 0 : index
    %get3A_0 = arith.constant 0 : index
    %get3A_1 = vector.load %arg2[%get3A, %get3A_0] : memref<8x64xf32, #tpu.memory_space<vmem>>, vector<8x64xf32>
    %get3A_2 = arith.constant 0 : index
    %get3A_3 = arith.constant 0 : index
    %get3A_4 = vector.load %arg3[%get3A_2, %get3A_3] : memref<1x64xf32, #tpu.memory_space<vmem>>, vector<1x64xf32>
    %get3A_5 = arith.constant 0 : index
    %get3A_6 = arith.constant 0 : index
    %get3A_7 = vector.load %arg4[%get3A_5, %get3A_6] : memref<1x64xf32, #tpu.memory_space<vmem>>, vector<1x64xf32>
    %slice3A = vector.extract_strided_slice %get3A_1 {offsets = [0, 0], sizes = [1, 64], strides = [1, 1]} : vector<8x64xf32> to vector<1x64xf32>
    %div3A = arith.constant 1.310720e+05 : f32
    %div3A_8 = vector.broadcast %div3A : f32 to vector<1x64xf32>
    %div3A_9 = arith.divf %slice3A, %div3A_8 : vector<1x64xf32>
    %slice3A_10 = vector.extract_strided_slice %get3A_1 {offsets = [1, 0], sizes = [1, 64], strides = [1, 1]} : vector<8x64xf32> to vector<1x64xf32>
    %div3A_11 = arith.constant 1.310720e+05 : f32
    %div3A_12 = vector.broadcast %div3A_11 : f32 to vector<1x64xf32>
    %div3A_13 = arith.divf %slice3A_10, %div3A_12 : vector<1x64xf32>
    %mul3A = arith.mulf %div3A_9, %div3A_9 : vector<1x64xf32>
    %sub3A = arith.subf %div3A_13, %mul3A : vector<1x64xf32>
    %add3A = arith.constant 9.99999974E-6 : f32
    %add3A_14 = vector.broadcast %add3A : f32 to vector<1x64xf32>
    %add3A_15 = arith.addf %sub3A, %add3A_14 : vector<1x64xf32>
    %sqrt3A = math.sqrt %add3A_15 : vector<1x64xf32>
    %div3A_16 = arith.divf %get3A_4, %sqrt3A : vector<1x64xf32>
    %mul3A_17 = arith.mulf %div3A_9, %div3A_16 : vector<1x64xf32>
    %sub3A_18 = arith.subf %get3A_7, %mul3A_17 : vector<1x64xf32>
    %get3A_19 = arith.constant 0 : index
    %get3A_20 = arith.constant 0 : index
    %get3A_21 = vector.load %arg1[%get3A_19, %get3A_20] : memref<2048x64xf32, #tpu.memory_space<vmem>>, vector<2048x64xf32>
    %mul3A_22 = vector.broadcast %div3A_16 : vector<1x64xf32> to vector<2048x64xf32>
    %mul3A_23 = arith.mulf %get3A_21, %mul3A_22 : vector<2048x64xf32>
    %add3A_24 = vector.broadcast %sub3A_18 : vector<1x64xf32> to vector<2048x64xf32>
    %add3A_25 = arith.addf %mul3A_23, %add3A_24 : vector<2048x64xf32>
    %max3A = arith.constant 0.000000e+00 : f32
    %max3A_26 = vector.broadcast %max3A : f32 to vector<2048x64xf32>
    %max3A_27 = arith.maximumf %add3A_25, %max3A_26 : vector<2048x64xf32>
    %get3A_28 = arith.constant 0 : index
    %get3A_29 = arith.constant 0 : index
    %get3A_30 = vector.load %arg5[%get3A_28, %get3A_29] : memref<64x64xf32, #tpu.memory_space<vmem>>, vector<64x64xf32>
    %dot_general3A = arith.constant dense<0.000000e+00> : vector<2048x64xf32>
    %dot_general3A_31 = tpu.matmul %max3A_27, %get3A_30, %dot_general3A {dimension_numbers = #tpu.dot_dimension_numbers<[1], [0], [0], [1], [0, 0, 1, 1], [], []>, transpose_lhs_hint = false} : vector<2048x64xf32>, vector<64x64xf32>, vector<2048x64xf32> -> vector<2048x64xf32>
    %get3A_32 = arith.constant 0 : index
    %get3A_33 = arith.constant 0 : index
    %get3A_34 = vector.load %arg6[%get3A_32, %get3A_33] : memref<1x64xf32, #tpu.memory_space<vmem>>, vector<1x64xf32>
    %add3A_35 = vector.broadcast %get3A_34 : vector<1x64xf32> to vector<2048x64xf32>
    %add3A_36 = arith.addf %dot_general3A_31, %add3A_35 : vector<2048x64xf32>
    %swap3A = arith.constant 0 : index
    %swap3A_37 = arith.constant 0 : index
    %swap3A_38 = vector.load %arg7[%swap3A, %swap3A_37] : memref<2048x64xf32, #tpu.memory_space<vmem>>, vector<2048x64xf32>
    tpu.vector_store %arg7[%swap3A, %swap3A_37], %add3A_36 {strides = array<i32>} : memref<2048x64xf32, #tpu.memory_space<vmem>>, vector<2048x64xf32>,
    %reduce_sum3A = arith.constant dense<0.000000e+00> : vector<64xf32>
    %reduce_sum3A_39 = vector.multi_reduction <add>, %add3A_36, %reduce_sum3A [0] : vector<2048x64xf32> to vector<64xf32>
    %broadcast_in_dim3A = vector.shape_cast %reduce_sum3A_39 : vector<64xf32> to vector<1x64xf32>
    %mul3A_40 = arith.mulf %add3A_36, %add3A_36 : vector<2048x64xf32>
    %reduce_sum3A_41 = arith.constant dense<0.000000e+00> : vector<64xf32>
    %reduce_sum3A_42 = vector.multi_reduction <add>, %mul3A_40, %reduce_sum3A_41 [0] : vector<2048x64xf32> to vector<64xf32>
    %broadcast_in_dim3A_43 = vector.shape_cast %reduce_sum3A_42 : vector<64xf32> to vector<1x64xf32>
    %broadcast_in_dim3A_44 = arith.constant 0.000000e+00 : f32
    %broadcast_in_dim3A_45 = vector.broadcast %broadcast_in_dim3A_44 : f32 to vector<6x64xf32>
    %concatenate3A = tpu.concatenate %broadcast_in_dim3A, %broadcast_in_dim3A_43, %broadcast_in_dim3A_45 in 0 : vector<1x64xf32>, vector<1x64xf32>, vector<6x64xf32> -> vector<8x64xf32>
    %eq3A = arith.constant 0 : i32
    %eq3A_46 = arith.cmpi eq, %arg0, %eq3A : i32
    %convert_element_type3A = arith.extui %eq3A_46 : i1 to i32
    %cond3A = arith.constant 0 : i32
    %cond3A_47 = arith.cmpi ne, %convert_element_type3A, %cond3A : i32
    scf.if %cond3A_47 {
      %broadcast_in_dim3A_55 = arith.constant 0.000000e+00 : f32
      %broadcast_in_dim3A_56 = vector.broadcast %broadcast_in_dim3A_55 : f32 to vector<8x64xf32>
      %swap3A_57 = arith.constant 0 : index
      %swap3A_58 = arith.constant 0 : index
      %swap3A_59 = vector.load %arg8[%swap3A_57, %swap3A_58] : memref<8x64xf32, #tpu.memory_space<vmem>>, vector<8x64xf32>
      tpu.vector_store %arg8[%swap3A_57, %swap3A_58], %broadcast_in_dim3A_56 {strides = array<i32>} : memref<8x64xf32, #tpu.memory_space<vmem>>, vector<8x64xf32>,
    } else {
    }
    %get3A_48 = arith.constant 0 : index
    %get3A_49 = arith.constant 0 : index
    %get3A_50 = vector.load %arg8[%get3A_48, %get3A_49] : memref<8x64xf32, #tpu.memory_space<vmem>>, vector<8x64xf32>
    %add3A_51 = arith.addf %get3A_50, %concatenate3A : vector<8x64xf32>
    %swap3A_52 = arith.constant 0 : index
    %swap3A_53 = arith.constant 0 : index
    %swap3A_54 = vector.load %arg8[%swap3A_52, %swap3A_53] : memref<8x64xf32, #tpu.memory_space<vmem>>, vector<8x64xf32>
    tpu.vector_store %arg8[%swap3A_52, %swap3A_53], %add3A_51 {strides = array<i32>} : memref<8x64xf32, #tpu.memory_space<vmem>>, vector<8x64xf32>,
    return
  }
  func.func @transform_0(%arg0: i32) -> (i32, i32) {
    %c0_i32 = arith.constant 0 : i32
    %c0_i32_0 = arith.constant 0 : i32
    return %arg0, %c0_i32 : i32, i32
  }
  func.func @transform_1(%arg0: i32) -> (i32, i32) {
    %c0_i32 = arith.constant 0 : i32
    %c0_i32_0 = arith.constant 0 : i32
    %c0_i32_1 = arith.constant 0 : i32
    return %c0_i32, %c0_i32_0 : i32, i32
  }
  func.func @transform_2(%arg0: i32) -> (i32, i32) {
    %c0_i32 = arith.constant 0 : i32
    %c0_i32_0 = arith.constant 0 : i32
    %c0_i32_1 = arith.constant 0 : i32
    return %c0_i32, %c0_i32_0 : i32, i32
  }
  func.func @transform_3(%arg0: i32) -> (i32, i32) {
    %c0_i32 = arith.constant 0 : i32
    %c0_i32_0 = arith.constant 0 : i32
    %c0_i32_1 = arith.constant 0 : i32
    return %c0_i32, %c0_i32_0 : i32, i32
  }
  func.func @transform_4(%arg0: i32) -> (i32, i32) {
    %c0_i32 = arith.constant 0 : i32
    %c0_i32_0 = arith.constant 0 : i32
    %c0_i32_1 = arith.constant 0 : i32
    return %c0_i32, %c0_i32_0 : i32, i32
  }
  func.func @transform_5(%arg0: i32) -> (i32, i32) {
    %c0_i32 = arith.constant 0 : i32
    %c0_i32_0 = arith.constant 0 : i32
    %c0_i32_1 = arith.constant 0 : i32
    return %c0_i32, %c0_i32_0 : i32, i32
  }
  func.func @transform_6(%arg0: i32) -> (i32, i32) {
    %c0_i32 = arith.constant 0 : i32
    %c0_i32_0 = arith.constant 0 : i32
    return %arg0, %c0_i32 : i32, i32
  }
  func.func @transform_7(%arg0: i32) -> (i32, i32) {
    %c0_i32 = arith.constant 0 : i32
    %c0_i32_0 = arith.constant 0 : i32
    %c0_i32_1 = arith.constant 0 : i32
    return %c0_i32, %c0_i32_0 : i32, i32
  }
}

module attributes {stable_mosaic.version = 14 : i64} {
  func.func @_mlp3_body(%arg0: i32, %arg1: memref<2048x64xf32, #tpu.memory_space<vmem>>, %arg2: memref<8x64xf32, #tpu.memory_space<vmem>>, %arg3: memref<1x64xf32, #tpu.memory_space<vmem>>, %arg4: memref<1x64xf32, #tpu.memory_space<vmem>>, %arg5: memref<128x64xf32, #tpu.memory_space<vmem>>) attributes {dimension_semantics = [#tpu.dimension_semantics<arbitrary>], iteration_bounds = array<i64: 64>, scalar_prefetch = 0 : i64, scratch_operands = 0 : i64, tpu.core_type = #tpu.core_type<tc>, window_params = [{transform_indices = @transform_0, window_bounds = array<i64: 2048, 64>}, {pipeline_mode = #tpu.pipeline_mode<synchronous>, transform_indices = @transform_1, window_bounds = array<i64: 8, 64>}, {pipeline_mode = #tpu.pipeline_mode<synchronous>, transform_indices = @transform_2, window_bounds = array<i64: 1, 64>}, {pipeline_mode = #tpu.pipeline_mode<synchronous>, transform_indices = @transform_3, window_bounds = array<i64: 1, 64>}, {transform_indices = @transform_4, window_bounds = array<i64: 128, 64>}]} {
    %get3A = arith.constant 0 : index
    %get3A_0 = arith.constant 0 : index
    %get3A_1 = vector.load %arg2[%get3A, %get3A_0] : memref<8x64xf32, #tpu.memory_space<vmem>>, vector<8x64xf32>
    %get3A_2 = arith.constant 0 : index
    %get3A_3 = arith.constant 0 : index
    %get3A_4 = vector.load %arg3[%get3A_2, %get3A_3] : memref<1x64xf32, #tpu.memory_space<vmem>>, vector<1x64xf32>
    %get3A_5 = arith.constant 0 : index
    %get3A_6 = arith.constant 0 : index
    %get3A_7 = vector.load %arg4[%get3A_5, %get3A_6] : memref<1x64xf32, #tpu.memory_space<vmem>>, vector<1x64xf32>
    %slice3A = vector.extract_strided_slice %get3A_1 {offsets = [0, 0], sizes = [1, 64], strides = [1, 1]} : vector<8x64xf32> to vector<1x64xf32>
    %div3A = arith.constant 1.310720e+05 : f32
    %div3A_8 = vector.broadcast %div3A : f32 to vector<1x64xf32>
    %div3A_9 = arith.divf %slice3A, %div3A_8 : vector<1x64xf32>
    %slice3A_10 = vector.extract_strided_slice %get3A_1 {offsets = [1, 0], sizes = [1, 64], strides = [1, 1]} : vector<8x64xf32> to vector<1x64xf32>
    %div3A_11 = arith.constant 1.310720e+05 : f32
    %div3A_12 = vector.broadcast %div3A_11 : f32 to vector<1x64xf32>
    %div3A_13 = arith.divf %slice3A_10, %div3A_12 : vector<1x64xf32>
    %mul3A = arith.mulf %div3A_9, %div3A_9 : vector<1x64xf32>
    %sub3A = arith.subf %div3A_13, %mul3A : vector<1x64xf32>
    %add3A = arith.constant 9.99999974E-6 : f32
    %add3A_14 = vector.broadcast %add3A : f32 to vector<1x64xf32>
    %add3A_15 = arith.addf %sub3A, %add3A_14 : vector<1x64xf32>
    %sqrt3A = math.sqrt %add3A_15 : vector<1x64xf32>
    %div3A_16 = arith.divf %get3A_4, %sqrt3A : vector<1x64xf32>
    %mul3A_17 = arith.mulf %div3A_9, %div3A_16 : vector<1x64xf32>
    %sub3A_18 = arith.subf %get3A_7, %mul3A_17 : vector<1x64xf32>
    %get3A_19 = arith.constant 0 : index
    %get3A_20 = arith.constant 0 : index
    %get3A_21 = vector.load %arg1[%get3A_19, %get3A_20] : memref<2048x64xf32, #tpu.memory_space<vmem>>, vector<2048x64xf32>
    %mul3A_22 = vector.broadcast %div3A_16 : vector<1x64xf32> to vector<2048x64xf32>
    %mul3A_23 = arith.mulf %get3A_21, %mul3A_22 : vector<2048x64xf32>
    %add3A_24 = vector.broadcast %sub3A_18 : vector<1x64xf32> to vector<2048x64xf32>
    %add3A_25 = arith.addf %mul3A_23, %add3A_24 : vector<2048x64xf32>
    %max3A = arith.constant 0.000000e+00 : f32
    %max3A_26 = vector.broadcast %max3A : f32 to vector<2048x64xf32>
    %max3A_27 = arith.maximumf %add3A_25, %max3A_26 : vector<2048x64xf32>
    %reshape3A = vector.shape_cast %max3A_27 : vector<2048x64xf32> to vector<128x16x64xf32>
    %slice3A_28 = vector.extract_strided_slice %reshape3A {offsets = [0, 0, 0], sizes = [128, 1, 64], strides = [1, 1, 1]} : vector<128x16x64xf32> to vector<128x1x64xf32>
    %squeeze3A = vector.shape_cast %slice3A_28 : vector<128x1x64xf32> to vector<128x64xf32>
    %slice3A_29 = vector.extract_strided_slice %reshape3A {offsets = [0, 1, 0], sizes = [128, 1, 64], strides = [1, 1, 1]} : vector<128x16x64xf32> to vector<128x1x64xf32>
    %squeeze3A_30 = vector.shape_cast %slice3A_29 : vector<128x1x64xf32> to vector<128x64xf32>
    %max3A_31 = arith.maximumf %squeeze3A, %squeeze3A_30 : vector<128x64xf32>
    %slice3A_32 = vector.extract_strided_slice %reshape3A {offsets = [0, 2, 0], sizes = [128, 1, 64], strides = [1, 1, 1]} : vector<128x16x64xf32> to vector<128x1x64xf32>
    %squeeze3A_33 = vector.shape_cast %slice3A_32 : vector<128x1x64xf32> to vector<128x64xf32>
    %max3A_34 = arith.maximumf %max3A_31, %squeeze3A_33 : vector<128x64xf32>
    %slice3A_35 = vector.extract_strided_slice %reshape3A {offsets = [0, 3, 0], sizes = [128, 1, 64], strides = [1, 1, 1]} : vector<128x16x64xf32> to vector<128x1x64xf32>
    %squeeze3A_36 = vector.shape_cast %slice3A_35 : vector<128x1x64xf32> to vector<128x64xf32>
    %max3A_37 = arith.maximumf %max3A_34, %squeeze3A_36 : vector<128x64xf32>
    %slice3A_38 = vector.extract_strided_slice %reshape3A {offsets = [0, 4, 0], sizes = [128, 1, 64], strides = [1, 1, 1]} : vector<128x16x64xf32> to vector<128x1x64xf32>
    %squeeze3A_39 = vector.shape_cast %slice3A_38 : vector<128x1x64xf32> to vector<128x64xf32>
    %max3A_40 = arith.maximumf %max3A_37, %squeeze3A_39 : vector<128x64xf32>
    %slice3A_41 = vector.extract_strided_slice %reshape3A {offsets = [0, 5, 0], sizes = [128, 1, 64], strides = [1, 1, 1]} : vector<128x16x64xf32> to vector<128x1x64xf32>
    %squeeze3A_42 = vector.shape_cast %slice3A_41 : vector<128x1x64xf32> to vector<128x64xf32>
    %max3A_43 = arith.maximumf %max3A_40, %squeeze3A_42 : vector<128x64xf32>
    %slice3A_44 = vector.extract_strided_slice %reshape3A {offsets = [0, 6, 0], sizes = [128, 1, 64], strides = [1, 1, 1]} : vector<128x16x64xf32> to vector<128x1x64xf32>
    %squeeze3A_45 = vector.shape_cast %slice3A_44 : vector<128x1x64xf32> to vector<128x64xf32>
    %max3A_46 = arith.maximumf %max3A_43, %squeeze3A_45 : vector<128x64xf32>
    %slice3A_47 = vector.extract_strided_slice %reshape3A {offsets = [0, 7, 0], sizes = [128, 1, 64], strides = [1, 1, 1]} : vector<128x16x64xf32> to vector<128x1x64xf32>
    %squeeze3A_48 = vector.shape_cast %slice3A_47 : vector<128x1x64xf32> to vector<128x64xf32>
    %max3A_49 = arith.maximumf %max3A_46, %squeeze3A_48 : vector<128x64xf32>
    %slice3A_50 = vector.extract_strided_slice %reshape3A {offsets = [0, 8, 0], sizes = [128, 1, 64], strides = [1, 1, 1]} : vector<128x16x64xf32> to vector<128x1x64xf32>
    %squeeze3A_51 = vector.shape_cast %slice3A_50 : vector<128x1x64xf32> to vector<128x64xf32>
    %max3A_52 = arith.maximumf %max3A_49, %squeeze3A_51 : vector<128x64xf32>
    %slice3A_53 = vector.extract_strided_slice %reshape3A {offsets = [0, 9, 0], sizes = [128, 1, 64], strides = [1, 1, 1]} : vector<128x16x64xf32> to vector<128x1x64xf32>
    %squeeze3A_54 = vector.shape_cast %slice3A_53 : vector<128x1x64xf32> to vector<128x64xf32>
    %max3A_55 = arith.maximumf %max3A_52, %squeeze3A_54 : vector<128x64xf32>
    %slice3A_56 = vector.extract_strided_slice %reshape3A {offsets = [0, 10, 0], sizes = [128, 1, 64], strides = [1, 1, 1]} : vector<128x16x64xf32> to vector<128x1x64xf32>
    %squeeze3A_57 = vector.shape_cast %slice3A_56 : vector<128x1x64xf32> to vector<128x64xf32>
    %max3A_58 = arith.maximumf %max3A_55, %squeeze3A_57 : vector<128x64xf32>
    %slice3A_59 = vector.extract_strided_slice %reshape3A {offsets = [0, 11, 0], sizes = [128, 1, 64], strides = [1, 1, 1]} : vector<128x16x64xf32> to vector<128x1x64xf32>
    %squeeze3A_60 = vector.shape_cast %slice3A_59 : vector<128x1x64xf32> to vector<128x64xf32>
    %max3A_61 = arith.maximumf %max3A_58, %squeeze3A_60 : vector<128x64xf32>
    %slice3A_62 = vector.extract_strided_slice %reshape3A {offsets = [0, 12, 0], sizes = [128, 1, 64], strides = [1, 1, 1]} : vector<128x16x64xf32> to vector<128x1x64xf32>
    %squeeze3A_63 = vector.shape_cast %slice3A_62 : vector<128x1x64xf32> to vector<128x64xf32>
    %max3A_64 = arith.maximumf %max3A_61, %squeeze3A_63 : vector<128x64xf32>
    %slice3A_65 = vector.extract_strided_slice %reshape3A {offsets = [0, 13, 0], sizes = [128, 1, 64], strides = [1, 1, 1]} : vector<128x16x64xf32> to vector<128x1x64xf32>
    %squeeze3A_66 = vector.shape_cast %slice3A_65 : vector<128x1x64xf32> to vector<128x64xf32>
    %max3A_67 = arith.maximumf %max3A_64, %squeeze3A_66 : vector<128x64xf32>
    %slice3A_68 = vector.extract_strided_slice %reshape3A {offsets = [0, 14, 0], sizes = [128, 1, 64], strides = [1, 1, 1]} : vector<128x16x64xf32> to vector<128x1x64xf32>
    %squeeze3A_69 = vector.shape_cast %slice3A_68 : vector<128x1x64xf32> to vector<128x64xf32>
    %max3A_70 = arith.maximumf %max3A_67, %squeeze3A_69 : vector<128x64xf32>
    %slice3A_71 = vector.extract_strided_slice %reshape3A {offsets = [0, 15, 0], sizes = [128, 1, 64], strides = [1, 1, 1]} : vector<128x16x64xf32> to vector<128x1x64xf32>
    %squeeze3A_72 = vector.shape_cast %slice3A_71 : vector<128x1x64xf32> to vector<128x64xf32>
    %max3A_73 = arith.maximumf %max3A_70, %squeeze3A_72 : vector<128x64xf32>
    %swap3A = arith.constant 0 : index
    %swap3A_74 = arith.constant 0 : index
    %swap3A_75 = vector.load %arg5[%swap3A, %swap3A_74] : memref<128x64xf32, #tpu.memory_space<vmem>>, vector<128x64xf32>
    tpu.vector_store %arg5[%swap3A, %swap3A_74], %max3A_73 {strides = array<i32>} : memref<128x64xf32, #tpu.memory_space<vmem>>, vector<128x64xf32>,
    return
  }
  func.func @transform_0(%arg0: i32) -> (i32, i32) {
    %c0_i32 = arith.constant 0 : i32
    %c0_i32_0 = arith.constant 0 : i32
    return %arg0, %c0_i32 : i32, i32
  }
  func.func @transform_1(%arg0: i32) -> (i32, i32) {
    %c0_i32 = arith.constant 0 : i32
    %c0_i32_0 = arith.constant 0 : i32
    %c0_i32_1 = arith.constant 0 : i32
    return %c0_i32, %c0_i32_0 : i32, i32
  }
  func.func @transform_2(%arg0: i32) -> (i32, i32) {
    %c0_i32 = arith.constant 0 : i32
    %c0_i32_0 = arith.constant 0 : i32
    %c0_i32_1 = arith.constant 0 : i32
    return %c0_i32, %c0_i32_0 : i32, i32
  }
  func.func @transform_3(%arg0: i32) -> (i32, i32) {
    %c0_i32 = arith.constant 0 : i32
    %c0_i32_0 = arith.constant 0 : i32
    %c0_i32_1 = arith.constant 0 : i32
    return %c0_i32, %c0_i32_0 : i32, i32
  }
  func.func @transform_4(%arg0: i32) -> (i32, i32) {
    %c0_i32 = arith.constant 0 : i32
    %c0_i32_0 = arith.constant 0 : i32
    return %arg0, %c0_i32 : i32, i32
  }
}

</mosaic_0001>

<sc_bundles>
// kernel: kernel.10.cloned.1.call-start
scs
__scs_entry_jumppad:
0x0: {  	(pc) =	sbr.rel $0x88, $3  }
0x1: {  	(tag) =	ssettag $0x0;
	lr =	simm.s32 $0x1  }
0x2: {  	[smem:$0x3F93] =	sst lr;
	_ =	strace $0xD0000000  }
0x3: {  	_ = 	snop  }
0x4: {  	_ = 	snop  }
0x5: {  	_ = 	snop  }
0x6: {  	_ = 	snop  }
0x7: {  	_ = 	snop  }
__scs_overlays_trampoline_lowered:
0x8: {  	[smem:$0x3FA2] =	sst s0  }
0x9: {  	[smem:$0x3FA3] =	sst s1  }
0xa: {  	[smem:$0x3FA4] =	sst s2  }
0xb: {  	[smem:$0x3FA5] =	sst s3  }
0xc: {  	[smem:$0x3FA6] =	sst s4  }
0xd: {  	[smem:$0x3FA7] =	sst s5  }
0xe: {  	[smem:$0x3FA8] =	sst s6  }
0xf: {  	[smem:$0x3FA9] =	sst s7  }
0x10: {  	[smem:$0x3FAA] =	sst s8  }
0x11: {  	[smem:$0x3FAB] =	sst s9;
	s0 =	simm.s32 @!p0 $0x0  }
0x12: {  	s1 =	sld [smem:$0x3F91];
	s0 =	simm.s32 @p0 $0x1  }
0x13: {  	[smem:$0x3FAC] =	sst s0;
	s0 =	simm.s32 @!p1 $0x0  }
0x14: {  	s2 =	sld [smem:$0x3F90];
	s0 =	simm.s32 @p1 $0x1  }
0x15: {  	[smem:$0x3FAD] =	sst s0;
	s0 =	simm.s32 @!p2 $0x0  }
0x16: {  	s3 =	sld [smem:$0x3FDB];
	s0 =	simm.s32 @p2 $0x1  }
0x17: {  	s4 =	simm.s32 $0x1BF5;
	[smem:$0x3FAF] =	sst s0  }
0x18: {  	s0 =	sld [smem:$0x3F92];
	_ =	swait.ge [sflag:s4], $0x0  }
0x19: {  	s7 =	sld [smem:$0x3F93]  }
0x1a: {  	s8 =	sadd.s32 $0xFFFFE003, lr  }
0x1b: {  	s9 =	sadd.s32 $0xFFFFFEF7, lr;
	s5 =	simm.s32 $0xFFFFFFFF;
	p2 =	slt.u32 s8, $0xFFFFF086  }
0x1c: {  	p1 =	slt.u32 s9, $0xF7A;
	s5 =	simm.s32 @!p2 $0x0  }
0x1d: {  	s5 =	simm.s32 @p1 $0x1;
	p0 =	seq.s32 s7, s2  }
0x1e: {  	s7 =	smul.u32 @!p0 $0xF7A, s2;
	p2 =	seq.s32 @!p0 s5, $0x0  }
0x1f: {  	s9 =	smul.u32 $0xF7A, s1;
	s8 =	simm.s32 @!p0 $0x1BF5;
	p2 =	por !p2, p0  }
0x20: {  	[sflag:s8] =	ssyncset.s32 @!p0 $0xFFFFF086;
	s6 =	sadd.s32 @!p0 s3, s7;
	s7 =	simm.s32 @!p0 $0x108  }
0x21: {  	s3 =	sadd.s32 s3, s9;
	s6 =	sadd.s32 @!p0 $0x88, s6;
	s7 =	simm.s32 @p2 $0x1082  }
0x22: {  	[simem:s7], [sflag:s8] =	dma.local @!p0 [hbm:s6], $0xF7A  }
0x23: {  	s9 =	sor.u32 $0xD0000000, s2;
	s6 =	simm.s32 $0x108;
	_ =	swait.ge @!p0 [sflag:s8], $0x0  }
0x24: {  	s3 =	sadd.s32 $0x88, s3;
	s6 =	simm.s32 @!p1 $0x1082;
	[sflag:s4] =	ssyncset.s32 $0xFFFFF086  }
0x25: {  	[simem:s6], [sflag:s4] =	dma.local [hbm:s3], $0xF7A  }
0x26: {  	[smem:$0x3F93] =	sst s1;
	(tag) =	ssettag s2;
	_ =	strace s9  }
0x27: {  	s1 =	sld [smem:$0x3FA3]  }
0x28: {  	s2 =	sld [smem:$0x3FA4]  }
0x29: {  	s4 =	sld [smem:$0x3FA6]  }
0x2a: {  	p0 =	seq.s32 s5, $0x0;
	s5 =	sld [smem:$0x3FA7]  }
0x2b: {  	s6 =	sld [smem:$0x3FA8]  }
0x2c: {  	s7 =	sld [smem:$0x3FA9]  }
0x2d: {  	s3 =	simm.s32 $0x108;
	s8 =	sld [smem:$0x3FAA]  }
0x2e: {  	s3 =	simm.s32 @!p0 $0x1082;
	s9 =	sld [smem:$0x3FAB]  }
0x2f: {  	lr =	sadd.s32 s0, s3;
	s0 =	sld [smem:$0x3FA2]  }
0x30: {  	s3 =	sld [smem:$0x3FA5]  }
0x31: {  	[smem:$0x3FAE] =	sst s10  }
0x32: {  	s10 =	sld [smem:$0x3FAC];
	_ =	sdelay $0x3  }
0x33: {  	p0 =	seq.s32 s10, $0x1;
	s10 =	sld [smem:$0x3FAE];
	_ =	sdelay $0x3  }
0x34: {  	[smem:$0x3FAE] =	sst s10  }
0x35: {  	s10 =	sld [smem:$0x3FAD];
	_ =	sdelay $0x3  }
0x36: {  	p1 =	seq.s32 s10, $0x1;
	s10 =	sld [smem:$0x3FAE];
	_ =	sdelay $0x3  }
0x37: {  	[smem:$0x3FAE] =	sst s10  }
0x38: {  	s10 =	sld [smem:$0x3FAF]  }
0x39: {  	_ = 	snop;
	(pc) =	sbr.ind lr, $3  }
0x3a: {  	_ = 	snop  }
0x3b: {  	_ = 	snop  }
0x3c: {  	p2 =	seq.s32 s10, $0x1;
	s10 =	sld [smem:$0x3FAE]  }
0x3d: {  	_ =	shalt  }
0x3e: {  	_ =	shalt  }
0x3f: {  	_ =	shalt  }
0x40: {  	_ =	shalt  }
0x41: {  	_ =	shalt  }
0x42: {  	_ =	shalt  }
0x43: {  	_ =	shalt  }
0x44: {  	_ =	shalt  }
0x45: {  	_ =	shalt  }
0x46: {  	_ =	shalt  }
0x47: {  	_ =	shalt  }
0x48: {  	_ =	shalt  }
0x49: {  	_ =	shalt  }
0x4a: {  	_ =	shalt  }
0x4b: {  	_ =	shalt  }
0x4c: {  	_ =	shalt  }
0x4d: {  	_ =	shalt  }
0x4e: {  	_ =	shalt  }
0x4f: {  	_ =	shalt  }
0x50: {  	_ =	shalt  }
0x51: {  	_ =	shalt  }
0x52: {  	_ =	shalt  }
0x53: {  	_ =	shalt  }
0x54: {  	_ =	shalt  }
0x55: {  	_ =	shalt  }
0x56: {  	_ =	shalt  }
0x57: {  	_ =	shalt  }
0x58: {  	_ =	shalt  }
0x59: {  	_ =	shalt  }
0x5a: {  	_ =	shalt  }
0x5b: {  	_ =	shalt  }
0x5c: {  	_ =	shalt  }
0x5d: {  	_ =	shalt  }
0x5e: {  	_ =	shalt  }
0x5f: {  	_ =	shalt  }
0x60: {  	_ =	shalt  }
0x61: {  	_ =	shalt  }
0x62: {  	_ =	shalt  }
0x63: {  	_ =	shalt  }
0x64: {  	_ =	shalt  }
0x65: {  	_ =	shalt  }
0x66: {  	_ =	shalt  }
0x67: {  	_ =	shalt  }
0x68: {  	_ =	shalt  }
0x69: {  	_ =	shalt  }
0x6a: {  	_ =	shalt  }
0x6b: {  	_ =	shalt  }
0x6c: {  	_ =	shalt  }
0x6d: {  	_ =	shalt  }
0x6e: {  	_ =	shalt  }
0x6f: {  	_ =	shalt  }
0x70: {  	_ =	shalt  }
0x71: {  	_ =	shalt  }
0x72: {  	_ =	shalt  }
0x73: {  	_ =	shalt  }
0x74: {  	_ =	shalt  }
0x75: {  	_ =	shalt  }
0x76: {  	_ =	shalt  }
0x77: {  	_ =	shalt  }
0x78: {  	_ =	shalt  }
0x79: {  	_ =	shalt  }
0x7a: {  	_ =	shalt  }
0x7b: {  	_ =	shalt  }
0x7c: {  	_ =	shalt  }
0x7d: {  	_ =	shalt  }
0x7e: {  	_ =	shalt  }
0x7f: {  	_ =	shalt  }
0x80: {  	_ =	shalt  }
0x81: {  	_ =	shalt  }
0x82: {  	_ =	shalt  }
0x83: {  	_ =	shalt  }
0x84: {  	_ =	shalt  }
0x85: {  	_ =	shalt  }
0x86: {  	_ =	shalt  }
0x87: {  	_ =	shalt  }
.Lfunc_end0:
.L_simem_size_0:
called_computation_lowered:
.L_overlay_start_0:
0x88: {  	s2 =	sld [smem:$0x3FD9]  }
0x89: {  	s3 =	sld [smem:$0x3FFE];
	_ =	sdelay $0x1  }
0x8a: {  	s1 =	srdreg.scid  }
0x8b: {  	s0 =	sand.u32 $0x1, s1  }
0x8c: {  	s14 =	sshll.u32 s0, $0xA;
	s2 =	sadd.s32 s3, s2  }
0x8d: {  	s2 =	sadd.s32 s2, s14  }
0x8e: {  	[smem:$0x3FBA] =	sst s2  }
0x8f: {  	_ = 	snop  }
0x90: {  	s2 =	sld [smem:$0x3FD0];
	_ =	sdelay $0x2  }
0x91: {  	s15 =	simm.s32 $0xA;
	s4 =	simm.s32 $0x10  }
0x92: {  	[smem:s4], [sflag:s15] =	dma.local [hbm:s2], $0x1  }
0x93: {  	_ =	swait.eq [sflag:s15], $0x1  }
0x94: {  	[sflag:s15] =	ssyncset.done $0x0  }
0x95: {  	s16 =	sld [smem:$0x10];
	[sflag:s15] =	ssyncadd.s32 $0xFFFFFFFF  }
0x96: {  	s17 =	sld [smem:$0x11];
	(tm) =	ssettm $0x1  }
0x97: {  	s18 =	sld [smem:$0x3FFB];
	_ =	sdelay $0x3  }
0x98: {  	_ =	strace s18  }
0x99: {  	s4 =	sld [smem:$0x3FFC];
	_ =	sdelay $0x3  }
0x9a: {  	_ =	strace s4  }
0x9b: {  	s4 =	sld [smem:$0x3FFD];
	_ =	sdelay $0x3  }
0x9c: {  	_ =	strace s4  }
0x9d: {  	_ =	strace $0x8FFFFFFF  }
0x9e: {  	s19 =	sld [smem:$0x3FDB];
	_ =	sdelay $0x1  }
0x9f: {  	s5 =	simm.s32 $_scs_section_size  }
0xa0: {  	s6 =	simm.s32 $_size__tile_overlayer_lowered;
	s7 =	simm.s32 $_tile_overlayer_lowered  }
0xa1: {  	s22 =	simm.s32 $0x1BFF;
	s21 =	sshll.u32 s7, $0x1;
	s4 =	sadd.s32 s5, s19  }
0xa2: {  	s8 =	simm.s32 $0x0;
	s20 =	sshll.u32 s6, $0x1;
	s6 =	sadd.s32 s21, s4  }
0xa3: {  	[timem:s8], [sflag:s22] =	dma.local [hbm:s6], s20  }
0xa4: {  	_ =	swait.ge [sflag:s22], s20  }
0xa5: {  	s5 =	ssub.s32 $0x0, s20;
	[sflag:s22] =	ssyncset.done $0x0  }
0xa6: {  	[sflag:s22] =	ssyncadd.s32 s5;
	_ =	sdelay $0x1  }
0xa7: {  	s23 =	simm.s32 $0x1B8B  }
0xa8: {  	_ =	swait.ge [sflag:s23], $0x1  }
0xa9: {  	[sflag:s23] =	ssyncset.done $0x0  }
0xaa: {  	s25 =	simm.s32 $0x1B8E;
	s24 =	sld [smem:$0x3FFE];
	[sflag:s23] =	ssyncadd.s32 $0xFFFFFFFF  }
0xab: {  	s26 =	simm.s32 $execute0_lowered;
	[smem:$0x3FD2] =	sst s25  }
0xac: {  	s6 =	sshll.u32 s26, $0x1;
	_ =	strace $0x80000046;
	[dreg:$0x1] =	wrdreg $0xFFFFFFFF  }
0xad: {  	s28 =	simm.s32 $_size_execute0_lowered;
	s4 =	sadd.s32 s4, s6;
	[dreg:$0x0] =	wrdreg $0x0  }
0xae: {  	s6 =	sshll.u32 s28, $0x1;
	[dreg:$0x2] =	wrdreg s4  }
0xaf: {  	[dreg:$0x3] =	wrdreg s6  }
0xb0: {  	[dreg:$0x4] =	wrdreg $0xC0  }
0xb1: {  	_ =	task [dreg:s8], $0x5FFFF  }
0xb2: {  	[dreg:$0x1] =	wrdreg $0xFFFFFFFF  }
0xb3: {  	[dreg:$0x0] =	wrdreg $0x60  }
0xb4: {  	[dreg:$0x2] =	wrdreg s24  }
0xb5: {  	[dreg:$0x3] =	wrdreg s16  }
0xb6: {  	[dreg:$0x4] =	wrdreg s17  }
0xb7: {  	[dreg:$0x5] =	wrdreg $0x9  }
0xb8: {  	_ =	task.clear_ibuf [dreg:s8], $0x6FFFF;
	_ =	strace $0x90000046  }
0xb9: {  	s29 =	simm.s32 $0x9;
	_ =	strace $0x80000048  }
0xba: {  	_ =	swait.ge [sflag:s29], $0x1  }
0xbb: {  	[sflag:s29] =	ssyncadd.s32 $0xFFFFFFFF  }
0xbc: {  	_ =	strace $0x90000048  }
0xbd: {  	_ =	sfence  }
0xbe: {  	s30 =	sld [smem:$0x0];
	_ =	sdelay $0x2  }
0xbf: {  	s31 =	sshll.u32 s1, $0xD;
	s1 =	sshrl.u32 s1, $0x2  }
0xc0: {  	s3 =	sand.u32 $0x4000, s31;
	s1 =	sadd.s32 s1, s30  }
0xc1: {  	s0 =	sor.u32 s3, s0;
	s1 =	sshll.u32 s1, $0x11  }
0xc2: {  	s0 =	sor.u32 s1, s0  }
0xc3: {  	s0 =	sadd.s32 $0x8F2B, s0  }
0xc4: {  	[sflag:s0] =	ssyncadd.remote.s32 $0x1  }
0xc5: {  	_ =	sfence.sel $0xFFFF  }
0xc6: {  	[dreg:$0x0] =	wrdreg $0xFFFFFFFF;
	(pc) =	sbr.abs _section_cstart, $3  }
0xc7: {  	[dreg:$0x1] =	wrdreg $0xFFFFFFFF  }
0xc8: {  	_ =	task.clear_ibuf [dreg:s8], $0x2FFFF;
	_ =	strace $0x9FFFFFFF  }
0xc9: {  	(tm) =	ssettm $0x7FFFFFFF  }
tec
execute0_lowered:
.L_overlay_start_1:
0x0: {  	(tag) =	ssettag $0x1  }
0x1: {  	s5 =	rddreg [dreg:$0x0];
	s1 =	srdreg.scid  }
0x2: {  	s9 =	rddreg [dreg:$0x1];
	s0 =	stileid.u32;
	s10 =	sand.u32 $0x1, s1  }
0x3: {  	s11 =	rddreg [dreg:$0x2];
	s3 =	sshll.u32 s0, $0x9;
	s4 =	sshll.u32 s10, $0x8  }
0x4: {  	s2 =	simm.s32 $0x0;
	s1 =	rddreg [dreg:$0x3];
	s12 =	sor.u32 s4, s3  }
0x5: {  	[smem:$0x7FF] =	sst s2;
	s3 =	sshrl.u32 s12, $0x3  }
0x6: {  	_ =	strace $0x80000047;
	s4 =	sadd.s32 s9, s3;
	s3 =	simm.s32 $0x2  }
0x7: {  	[tilespmem:s2], [sflag:$0x2] =	stream.linear.gather [hbm4b:s4+s2], $0x80, $0x38;
	[tilespmem:$0x1880] =	vst v63  }
0x8: {  	_ =	swait.ge [sflag:s3], $0x80  }
0x9: {  	s6 =	simm.s32 $0x80;
	[sflag:s3] =	ssyncset.done $0x0  }
0xa: {  	s7 =	simm.s32 $0x1;
	s5 =	sadd.s32 $0x3000, s5;
	[sflag:s3] =	ssyncadd.s32 $0xFFFFFF80  }
0xb: {  	[tilespmem:s6], [sflag:$0x1] =	stream.indirect.gather [hbm4b:s5+s6], $0x30, s2, s6, $0xb8;
	[tilespmem:$0x1880] =	vst v63  }
0xc: {  	s8 =	smul.u32 $0x6, s12;
	_ =	swait.ge [sflag:s7], $0x1800  }
0xd: {  	[sflag:s7] =	ssyncset.done $0x0  }
0xe: {  	s8 =	sadd.s32 s11, s8;
	[sflag:s7] =	ssyncadd.s32 $0xFFFFE800  }
0xf: {  	[hbm4b:s8+s2] =	stream.linear.scatter [tilespmem:s6], [sflag:$0x2], $0x1800, $0x38;
	[tilespmem:$0x1880] =	vst v63  }
0x10: {  	s12 =	sor.u32 $0x80, s12;
	_ =	swait.ge [sflag:s3], $0x1800  }
0x11: {  	s13 =	sshrl.u32 s12, $0x3;
	[sflag:s3] =	ssyncset.done $0x0  }
0x12: {  	s10 =	ssub.s32 $0x2, s10;
	s9 =	sadd.s32 s9, s13;
	[sflag:s3] =	ssyncadd.s32 $0xFFFFE800  }
0x13: {  	[tilespmem:s2], [sflag:$0x2] =	stream.linear.gather [hbm4b:s9+s2], $0x80, $0x38;
	[tilespmem:$0x1880] =	vst v63  }
0x14: {  	s30 =	sshrl.u32 s10, $0x1;
	_ =	swait.ge [sflag:s3], $0x80  }
0x15: {  	s13 =	ssub.s32 s10, s30;
	[sflag:s3] =	ssyncset.done $0x0  }
0x16: {  	s31 =	smax.u32 s13, $0x1;
	[sflag:s3] =	ssyncadd.s32 $0xFFFFFF80  }
0x17: {  	[tilespmem:s6], [sflag:$0x1] =	stream.indirect.gather [hbm4b:s5+s6], $0x30, s2, s6, $0xb8;
	[tilespmem:$0x1880] =	vst v63  }
0x18: {  	s12 =	smul.u32 $0x6, s12;
	p0 =	sne.s32 s31, $0x1;
	_ =	swait.ge [sflag:s7], $0x1800  }
.Ltmp0:
0x19: {  	[sflag:s7] =	ssyncset.done $0x0;
	(pc) =	sbr.rel @!p0 .LBB2_2-.Ltmp0, $4  }
0x1a: {  	s10 =	sadd.s32 s11, s12;
	[sflag:s7] =	ssyncadd.s32 $0xFFFFE800  }
0x1b: {  	[hbm4b:s10+s2] =	stream.linear.scatter [tilespmem:s6], [sflag:$0x2], $0x1800, $0x38;
	[tilespmem:$0x1880] =	vst v63  }
0x1c: {  	_ =	swait.ge [sflag:s3], $0x1800  }
0x1d: {  	s11 =	sadd.s32 $0xFFFFFFFF, s31;
	[sflag:s3] =	ssyncset.done $0x0  }
.LBB2_1:
0x1e: {  	p0 =	sne.s32 s11, $0x1;
	s11 =	sadd.s32 $0xFFFFFFFF, s11;
	[sflag:s3] =	ssyncadd.s32 $0xFFFFE800  }
0x1f: {  	[tilespmem:s2], [sflag:$0x2] =	stream.linear.gather [hbm4b:s4+s2], $0x80, $0x38;
	[tilespmem:$0x1880] =	vst v63  }
0x20: {  	_ =	swait.ge [sflag:s3], $0x80  }
0x21: {  	[sflag:s3] =	ssyncset.done $0x0  }
0x22: {  	[sflag:s3] =	ssyncadd.s32 $0xFFFFFF80  }
0x23: {  	[tilespmem:s6], [sflag:$0x1] =	stream.indirect.gather [hbm4b:s5+s6], $0x30, s2, s6, $0xb8;
	[tilespmem:$0x1880] =	vst v63  }
0x24: {  	_ =	swait.ge [sflag:s7], $0x1800  }
0x25: {  	[sflag:s7] =	ssyncset.done $0x0  }
0x26: {  	[sflag:s7] =	ssyncadd.s32 $0xFFFFE800  }
0x27: {  	[hbm4b:s8+s2] =	stream.linear.scatter [tilespmem:s6], [sflag:$0x2], $0x1800, $0x38;
	[tilespmem:$0x1880] =	vst v63  }
0x28: {  	_ =	swait.ge [sflag:s3], $0x1800  }
0x29: {  	[sflag:s3] =	ssyncset.done $0x0  }
0x2a: {  	[sflag:s3] =	ssyncadd.s32 $0xFFFFE800  }
0x2b: {  	[tilespmem:s2], [sflag:$0x2] =	stream.linear.gather [hbm4b:s9+s2], $0x80, $0x38;
	[tilespmem:$0x1880] =	vst v63  }
0x2c: {  	_ =	swait.ge [sflag:s3], $0x80  }
0x2d: {  	[sflag:s3] =	ssyncset.done $0x0  }
0x2e: {  	[sflag:s3] =	ssyncadd.s32 $0xFFFFFF80  }
0x2f: {  	[tilespmem:s6], [sflag:$0x1] =	stream.indirect.gather [hbm4b:s5+s6], $0x30, s2, s6, $0xb8;
	[tilespmem:$0x1880] =	vst v63  }
0x30: {  	_ =	swait.ge [sflag:s7], $0x1800  }
.Ltmp1:
0x31: {  	[sflag:s7] =	ssyncset.done $0x0;
	(pc) =	sbr.rel @p0 .LBB2_1-.Ltmp1, $4  }
0x32: {  	[sflag:s7] =	ssyncadd.s32 $0xFFFFE800  }
0x33: {  	[hbm4b:s10+s2] =	stream.linear.scatter [tilespmem:s6], [sflag:$0x2], $0x1800, $0x38;
	[tilespmem:$0x1880] =	vst v63  }
0x34: {  	_ =	swait.ge [sflag:s3], $0x1800  }
0x35: {  	[sflag:s3] =	ssyncset.done $0x0  }
.LBB2_2:
0x36: {  	[sflag:s3] =	ssyncadd.s32 $0xFFFFE800  }
0x37: {  	_ =	sfence.sel $0x180000  }
0x38: {  	[bflag:$0x0] =	sbarrier.arrive $0xFFFF  }
0x39: {  	p0 =	sne.s32 s0, $0x0;
	_ =	strace $0x90000047  }
0x3a: {  	s0 =	sadd.s32 @!p0 $0x100000, s1;
	[bflag:$0x2] =	sbarrier.arrive $0xFFFF  }
0x3b: {  	[sflag:s0] =	ssyncadd.tile.s32 @!p0 $0x1;
	_ =	shalt  }
.Lfunc_end2:
_tile_overlayer_lowered:
.L_overlay_start_2:
0x3c: {  	(tag) =	ssettag $0x2  }
0x3d: {  	s0 =	rddreg [dreg:$0x0];
	s2 =	stileid.u32  }
0x3e: {  	s1 =	rddreg [dreg:$0x1];
	p0 =	sne.s32 s2, $0x0  }
0x3f: {  	s3 =	rddreg [dreg:$0x2];
	[bflag:$0x3] =	sbarrier.arrive $0xFFFF;
	s2 =	simm.s32 @!p0 $0x1C02  }
0x40: {  	[timem:s3], [sflag:s2] =	dma.local @!p0 [hbm:s0], s1  }
0x41: {  	s0 =	simm.s32 @!p0 $0x2  }
0x42: {  	_ =	swait.ge @!p0 [sflag:s0], s1  }
0x43: {  	s1 =	ssub.s32 @!p0 $0x0, s1;
	[sflag:s0] =	ssyncset.done @!p0 $0x0  }
0x44: {  	[sflag:s0] =	ssyncadd.s32 @!p0 s1  }
0x45: {  	[bflag:$0x3] =	sbarrier.arrive $0xFFFF  }
0x46: {  	_ =	shalt  }

// kernel: kernel.13.cloned.1.call-start
scs
__scs_entry_jumppad:
0x0: {  	(pc) =	sbr.rel $0x88, $3  }
0x1: {  	(tag) =	ssettag $0x0;
	lr =	simm.s32 $0x1  }
0x2: {  	[smem:$0x3F93] =	sst lr;
	_ =	strace $0xD0000000  }
0x3: {  	_ = 	snop  }
0x4: {  	_ = 	snop  }
0x5: {  	_ = 	snop  }
0x6: {  	_ = 	snop  }
0x7: {  	_ = 	snop  }
__scs_overlays_trampoline_lowered:
0x8: {  	[smem:$0x3FA2] =	sst s0  }
0x9: {  	[smem:$0x3FA3] =	sst s1  }
0xa: {  	[smem:$0x3FA4] =	sst s2  }
0xb: {  	[smem:$0x3FA5] =	sst s3  }
0xc: {  	[smem:$0x3FA6] =	sst s4  }
0xd: {  	[smem:$0x3FA7] =	sst s5  }
0xe: {  	[smem:$0x3FA8] =	sst s6  }
0xf: {  	[smem:$0x3FA9] =	sst s7  }
0x10: {  	[smem:$0x3FAA] =	sst s8  }
0x11: {  	[smem:$0x3FAB] =	sst s9;
	s0 =	simm.s32 @!p0 $0x0  }
0x12: {  	s1 =	sld [smem:$0x3F91];
	s0 =	simm.s32 @p0 $0x1  }
0x13: {  	[smem:$0x3FAC] =	sst s0;
	s0 =	simm.s32 @!p1 $0x0  }
0x14: {  	s2 =	sld [smem:$0x3F90];
	s0 =	simm.s32 @p1 $0x1  }
0x15: {  	[smem:$0x3FAD] =	sst s0;
	s0 =	simm.s32 @!p2 $0x0  }
0x16: {  	s3 =	sld [smem:$0x3FDB];
	s0 =	simm.s32 @p2 $0x1  }
0x17: {  	s4 =	simm.s32 $0x1BF5;
	[smem:$0x3FAF] =	sst s0  }
0x18: {  	s0 =	sld [smem:$0x3F92];
	_ =	swait.ge [sflag:s4], $0x0  }
0x19: {  	s7 =	sld [smem:$0x3F93]  }
0x1a: {  	s8 =	sadd.s32 $0xFFFFE003, lr  }
0x1b: {  	s9 =	sadd.s32 $0xFFFFFEF7, lr;
	s5 =	simm.s32 $0xFFFFFFFF;
	p2 =	slt.u32 s8, $0xFFFFF086  }
0x1c: {  	p1 =	slt.u32 s9, $0xF7A;
	s5 =	simm.s32 @!p2 $0x0  }
0x1d: {  	s5 =	simm.s32 @p1 $0x1;
	p0 =	seq.s32 s7, s2  }
0x1e: {  	s7 =	smul.u32 @!p0 $0xF7A, s2;
	p2 =	seq.s32 @!p0 s5, $0x0  }
0x1f: {  	s9 =	smul.u32 $0xF7A, s1;
	s8 =	simm.s32 @!p0 $0x1BF5;
	p2 =	por !p2, p0  }
0x20: {  	[sflag:s8] =	ssyncset.s32 @!p0 $0xFFFFF086;
	s6 =	sadd.s32 @!p0 s3, s7;
	s7 =	simm.s32 @!p0 $0x108  }
0x21: {  	s3 =	sadd.s32 s3, s9;
	s6 =	sadd.s32 @!p0 $0x88, s6;
	s7 =	simm.s32 @p2 $0x1082  }
0x22: {  	[simem:s7], [sflag:s8] =	dma.local @!p0 [hbm:s6], $0xF7A  }
0x23: {  	s9 =	sor.u32 $0xD0000000, s2;
	s6 =	simm.s32 $0x108;
	_ =	swait.ge @!p0 [sflag:s8], $0x0  }
0x24: {  	s3 =	sadd.s32 $0x88, s3;
	s6 =	simm.s32 @!p1 $0x1082;
	[sflag:s4] =	ssyncset.s32 $0xFFFFF086  }
0x25: {  	[simem:s6], [sflag:s4] =	dma.local [hbm:s3], $0xF7A  }
0x26: {  	[smem:$0x3F93] =	sst s1;
	(tag) =	ssettag s2;
	_ =	strace s9  }
0x27: {  	s1 =	sld [smem:$0x3FA3]  }
0x28: {  	s2 =	sld [smem:$0x3FA4]  }
0x29: {  	s4 =	sld [smem:$0x3FA6]  }
0x2a: {  	p0 =	seq.s32 s5, $0x0;
	s5 =	sld [smem:$0x3FA7]  }
0x2b: {  	s6 =	sld [smem:$0x3FA8]  }
0x2c: {  	s7 =	sld [smem:$0x3FA9]  }
0x2d: {  	s3 =	simm.s32 $0x108;
	s8 =	sld [smem:$0x3FAA]  }
0x2e: {  	s3 =	simm.s32 @!p0 $0x1082;
	s9 =	sld [smem:$0x3FAB]  }
0x2f: {  	lr =	sadd.s32 s0, s3;
	s0 =	sld [smem:$0x3FA2]  }
0x30: {  	s3 =	sld [smem:$0x3FA5]  }
0x31: {  	[smem:$0x3FAE] =	sst s10  }
0x32: {  	s10 =	sld [smem:$0x3FAC];
	_ =	sdelay $0x3  }
0x33: {  	p0 =	seq.s32 s10, $0x1;
	s10 =	sld [smem:$0x3FAE];
	_ =	sdelay $0x3  }
0x34: {  	[smem:$0x3FAE] =	sst s10  }
0x35: {  	s10 =	sld [smem:$0x3FAD];
	_ =	sdelay $0x3  }
0x36: {  	p1 =	seq.s32 s10, $0x1;
	s10 =	sld [smem:$0x3FAE];
	_ =	sdelay $0x3  }
0x37: {  	[smem:$0x3FAE] =	sst s10  }
0x38: {  	s10 =	sld [smem:$0x3FAF]  }
0x39: {  	_ = 	snop;
	(pc) =	sbr.ind lr, $3  }
0x3a: {  	_ = 	snop  }
0x3b: {  	_ = 	snop  }
0x3c: {  	p2 =	seq.s32 s10, $0x1;
	s10 =	sld [smem:$0x3FAE]  }
0x3d: {  	_ =	shalt  }
0x3e: {  	_ =	shalt  }
0x3f: {  	_ =	shalt  }
0x40: {  	_ =	shalt  }
0x41: {  	_ =	shalt  }
0x42: {  	_ =	shalt  }
0x43: {  	_ =	shalt  }
0x44: {  	_ =	shalt  }
0x45: {  	_ =	shalt  }
0x46: {  	_ =	shalt  }
0x47: {  	_ =	shalt  }
0x48: {  	_ =	shalt  }
0x49: {  	_ =	shalt  }
0x4a: {  	_ =	shalt  }
0x4b: {  	_ =	shalt  }
0x4c: {  	_ =	shalt  }
0x4d: {  	_ =	shalt  }
0x4e: {  	_ =	shalt  }
0x4f: {  	_ =	shalt  }
0x50: {  	_ =	shalt  }
0x51: {  	_ =	shalt  }
0x52: {  	_ =	shalt  }
0x53: {  	_ =	shalt  }
0x54: {  	_ =	shalt  }
0x55: {  	_ =	shalt  }
0x56: {  	_ =	shalt  }
0x57: {  	_ =	shalt  }
0x58: {  	_ =	shalt  }
0x59: {  	_ =	shalt  }
0x5a: {  	_ =	shalt  }
0x5b: {  	_ =	shalt  }
0x5c: {  	_ =	shalt  }
0x5d: {  	_ =	shalt  }
0x5e: {  	_ =	shalt  }
0x5f: {  	_ =	shalt  }
0x60: {  	_ =	shalt  }
0x61: {  	_ =	shalt  }
0x62: {  	_ =	shalt  }
0x63: {  	_ =	shalt  }
0x64: {  	_ =	shalt  }
0x65: {  	_ =	shalt  }
0x66: {  	_ =	shalt  }
0x67: {  	_ =	shalt  }
0x68: {  	_ =	shalt  }
0x69: {  	_ =	shalt  }
0x6a: {  	_ =	shalt  }
0x6b: {  	_ =	shalt  }
0x6c: {  	_ =	shalt  }
0x6d: {  	_ =	shalt  }
0x6e: {  	_ =	shalt  }
0x6f: {  	_ =	shalt  }
0x70: {  	_ =	shalt  }
0x71: {  	_ =	shalt  }
0x72: {  	_ =	shalt  }
0x73: {  	_ =	shalt  }
0x74: {  	_ =	shalt  }
0x75: {  	_ =	shalt  }
0x76: {  	_ =	shalt  }
0x77: {  	_ =	shalt  }
0x78: {  	_ =	shalt  }
0x79: {  	_ =	shalt  }
0x7a: {  	_ =	shalt  }
0x7b: {  	_ =	shalt  }
0x7c: {  	_ =	shalt  }
0x7d: {  	_ =	shalt  }
0x7e: {  	_ =	shalt  }
0x7f: {  	_ =	shalt  }
0x80: {  	_ =	shalt  }
0x81: {  	_ =	shalt  }
0x82: {  	_ =	shalt  }
0x83: {  	_ =	shalt  }
0x84: {  	_ =	shalt  }
0x85: {  	_ =	shalt  }
0x86: {  	_ =	shalt  }
0x87: {  	_ =	shalt  }
.Lfunc_end0:
.L_simem_size_0:
called_computation.1_lowered:
.L_overlay_start_0:
0x88: {  	s2 =	sld [smem:$0x3FD9]  }
0x89: {  	s3 =	sld [smem:$0x3FFE];
	_ =	sdelay $0x1  }
0x8a: {  	s1 =	srdreg.scid  }
0x8b: {  	s0 =	sand.u32 $0x1, s1  }
0x8c: {  	s14 =	sshll.u32 s0, $0xA;
	s2 =	sadd.s32 s3, s2  }
0x8d: {  	s2 =	sadd.s32 s2, s14  }
0x8e: {  	[smem:$0x3FBA] =	sst s2  }
0x8f: {  	_ = 	snop  }
0x90: {  	s2 =	sld [smem:$0x3FD0];
	_ =	sdelay $0x2  }
0x91: {  	s15 =	simm.s32 $0xA;
	s4 =	simm.s32 $0x10  }
0x92: {  	[smem:s4], [sflag:s15] =	dma.local [hbm:s2], $0x1  }
0x93: {  	_ =	swait.eq [sflag:s15], $0x1  }
0x94: {  	[sflag:s15] =	ssyncset.done $0x0  }
0x95: {  	[sflag:s15] =	ssyncadd.s32 $0xFFFFFFFF  }
0x96: {  	s16 =	sld [smem:$0x11];
	(tm) =	ssettm $0x1  }
0x97: {  	s17 =	sld [smem:$0x3FFB];
	_ =	sdelay $0x3  }
0x98: {  	_ =	strace s17  }
0x99: {  	s3 =	sld [smem:$0x3FFC];
	_ =	sdelay $0x3  }
0x9a: {  	_ =	strace s3  }
0x9b: {  	s3 =	sld [smem:$0x3FFD];
	_ =	sdelay $0x3  }
0x9c: {  	_ =	strace s3  }
0x9d: {  	_ =	strace $0x8FFFFFFF  }
0x9e: {  	s18 =	sld [smem:$0x3FDB];
	_ =	sdelay $0x1  }
0x9f: {  	s19 =	simm.s32 $_scs_section_size  }
0xa0: {  	s5 =	simm.s32 $_size__tile_overlayer_lowered;
	s6 =	simm.s32 $_tile_overlayer_lowered  }
0xa1: {  	s22 =	simm.s32 $0x1BFF;
	s21 =	sshll.u32 s6, $0x1;
	s3 =	sadd.s32 s19, s18  }
0xa2: {  	s7 =	simm.s32 $0x0;
	s20 =	sshll.u32 s5, $0x1;
	s5 =	sadd.s32 s21, s3  }
0xa3: {  	[timem:s7], [sflag:s22] =	dma.local [hbm:s5], s20  }
0xa4: {  	_ =	swait.ge [sflag:s22], s20  }
0xa5: {  	s4 =	ssub.s32 $0x0, s20;
	[sflag:s22] =	ssyncset.done $0x0  }
0xa6: {  	[sflag:s22] =	ssyncadd.s32 s4;
	_ =	sdelay $0x1  }
0xa7: {  	s23 =	simm.s32 $0x1B8B  }
0xa8: {  	_ =	swait.ge [sflag:s23], $0x1  }
0xa9: {  	[sflag:s23] =	ssyncset.done $0x0  }
0xaa: {  	s25 =	simm.s32 $0x1B8E;
	s24 =	sld [smem:$0x3FFE];
	[sflag:s23] =	ssyncadd.s32 $0xFFFFFFFF  }
0xab: {  	s26 =	simm.s32 $execute0_lowered;
	[smem:$0x3FD2] =	sst s25  }
0xac: {  	s5 =	sshll.u32 s26, $0x1;
	_ =	strace $0x80000049;
	[dreg:$0x1] =	wrdreg $0xFFFFFFFF  }
0xad: {  	s28 =	simm.s32 $_size_execute0_lowered;
	s3 =	sadd.s32 s3, s5;
	[dreg:$0x0] =	wrdreg $0x0  }
0xae: {  	s5 =	sshll.u32 s28, $0x1;
	[dreg:$0x2] =	wrdreg s3  }
0xaf: {  	[dreg:$0x3] =	wrdreg s5  }
0xb0: {  	[dreg:$0x4] =	wrdreg $0xC0  }
0xb1: {  	_ =	task [dreg:s7], $0x5FFFF  }
0xb2: {  	[dreg:$0x1] =	wrdreg $0xFFFFFFFF  }
0xb3: {  	[dreg:$0x0] =	wrdreg $0x60  }
0xb4: {  	[dreg:$0x2] =	wrdreg s24  }
0xb5: {  	[dreg:$0x3] =	wrdreg s16  }
0xb6: {  	[dreg:$0x4] =	wrdreg $0x9  }
0xb7: {  	_ =	task.clear_ibuf [dreg:s7], $0x5FFFF;
	_ =	strace $0x90000049  }
0xb8: {  	s29 =	simm.s32 $0x9;
	_ =	strace $0x8000004B  }
0xb9: {  	_ =	swait.ge [sflag:s29], $0x1  }
0xba: {  	[sflag:s29] =	ssyncadd.s32 $0xFFFFFFFF  }
0xbb: {  	_ =	strace $0x9000004B  }
0xbc: {  	_ =	sfence  }
0xbd: {  	s30 =	sld [smem:$0x0];
	_ =	sdelay $0x2  }
0xbe: {  	s31 =	sshll.u32 s1, $0xD;
	s1 =	sshrl.u32 s1, $0x2  }
0xbf: {  	s3 =	sand.u32 $0x4000, s31;
	s1 =	sadd.s32 s1, s30  }
0xc0: {  	s0 =	sor.u32 s3, s0;
	s1 =	sshll.u32 s1, $0x11  }
0xc1: {  	s0 =	sor.u32 s1, s0  }
0xc2: {  	s0 =	sadd.s32 $0x8F2B, s0  }
0xc3: {  	[sflag:s0] =	ssyncadd.remote.s32 $0x1  }
0xc4: {  	_ =	sfence.sel $0xFFFF  }
0xc5: {  	[dreg:$0x0] =	wrdreg $0xFFFFFFFF;
	(pc) =	sbr.abs _section_cstart, $3  }
0xc6: {  	[dreg:$0x1] =	wrdreg $0xFFFFFFFF  }
0xc7: {  	_ =	task.clear_ibuf [dreg:s7], $0x2FFFF;
	_ =	strace $0x9FFFFFFF  }
0xc8: {  	(tm) =	ssettm $0x7FFFFFFF  }
0xc9: {  	_ =	shalt  }
tec
execute0_lowered:
.L_overlay_start_1:
0x0: {  	(tag) =	ssettag $0x1  }
0x1: {  	s3 =	rddreg [dreg:$0x0]  }
0x2: {  	s5 =	rddreg [dreg:$0x1]  }
0x3: {  	s0 =	rddreg [dreg:$0x2];
	s1 =	stileid.u32  }
0x4: {  	s4 =	srdreg.scid;
	s2 =	simm.s32 $0x0;
	s6 =	smul.u32 $0xC000, s1  }
0x5: {  	s4 =	sand.u32 $0x1, s4;
	[smem:$0x7FF] =	sst s2;
	s9 =	sshll.u32 s1, $0xD  }
0x6: {  	s7 =	ssub.s32 $0x2, s4;
	_ =	strace $0x8000004A;
	s10 =	sshll.u32 s4, $0xC  }
0x7: {  	s11 =	smul.u32 $0x6000, s4;
	s6 =	sadd.s32 s6, s3;
	s8 =	sshrl.u32 s7, $0x1  }
0x8: {  	s3 =	sadd.s32 $0x3000, s3;
	s31 =	sor.u32 s10, s9;
	s9 =	simm.s32 $0x1  }
0x9: {  	s10 =	simm.s32 $0x0;
	s30 =	ssub.s32 s7, s8;
	s7 =	sshrl.u32 s31, $0x3  }
0xa: {  	s6 =	sadd.s32 s11, s6;
	s8 =	simm.s32 $0x80;
	s4 =	smax.u32 s30, $0x1  }
0xb: {  	s5 =	sadd.s32 s7, s5;
	s6 =	sadd.s32 $0x33000, s6;
	s7 =	simm.s32 $0x2  }
.LBB2_1:
0xc: {  	s11 =	sadd.s32 $0x0, s5  }
0xd: {  	[tilespmem:s2], [sflag:$0x2] =	stream.linear.gather [hbm4b:s11+s2], $0x80, $0x38;
	[tilespmem:$0x1880] =	vst v63  }
0xe: {  	_ =	swait.ge [sflag:s7], $0x80  }
0xf: {  	[sflag:s7] =	ssyncset.done $0x0  }
0x10: {  	[sflag:s7] =	ssyncadd.s32 $0xFFFFFF80  }
0x11: {  	[tilespmem:s8], [sflag:$0x1] =	stream.indirect.gather [hbm4b:s3+s8], $0x30, s2, s8, $0xb8;
	[tilespmem:$0x1880] =	vst v63  }
0x12: {  	_ =	swait.ge [sflag:s9], $0x1800  }
0x13: {  	[sflag:s9] =	ssyncset.done $0x0  }
0x14: {  	[sflag:s9] =	ssyncadd.s32 $0xFFFFE800  }
0x15: {  	[hbm4b:s6+s2] =	stream.linear.scatter [tilespmem:s8], [sflag:$0x2], $0x1800, $0x38;
	[tilespmem:$0x1880] =	vst v63  }
0x16: {  	s12 =	simm.s32 $0x10;
	_ =	swait.ge [sflag:s7], $0x1800  }
0x17: {  	s13 =	simm.s32 $0x20;
	s11 =	sadd.s32 $0x300, s6;
	[sflag:s7] =	ssyncset.done $0x0  }
.LBB2_2:
0x18: {  	s14 =	sadd.s32 s12, s5  }
0x19: {  	[sflag:s7] =	ssyncadd.s32 $0xFFFFE800;
	s12 =	smov.u32 s13;
	s15 =	sadd.s32 $0x10, s13  }
0x1a: {  	[tilespmem:s2], [sflag:$0x2] =	stream.linear.gather [hbm4b:s14+s2], $0x80, $0x38;
	[tilespmem:$0x1880] =	vst v63  }
0x1b: {  	p0 =	sne.s32 s13, $0x1F0;
	_ =	swait.ge [sflag:s7], $0x80  }
0x1c: {  	[sflag:s7] =	ssyncset.done $0x0  }
0x1d: {  	[sflag:s7] =	ssyncadd.s32 $0xFFFFFF80  }
0x1e: {  	[tilespmem:s8], [sflag:$0x1] =	stream.indirect.gather [hbm4b:s3+s8], $0x30, s2, s8, $0xb8;
	[tilespmem:$0x1880] =	vst v63  }
0x1f: {  	_ =	swait.ge [sflag:s9], $0x1800  }
.Ltmp0:
0x20: {  	[sflag:s9] =	ssyncset.done $0x0;
	(pc) =	sbr.rel @p0 .LBB2_2-.Ltmp0, $4  }
0x21: {  	[sflag:s9] =	ssyncadd.s32 $0xFFFFE800  }
0x22: {  	[hbm4b:s11+s2] =	stream.linear.scatter [tilespmem:s8], [sflag:$0x2], $0x1800, $0x38;
	[tilespmem:$0x1880] =	vst v63  }
0x23: {  	_ =	swait.ge [sflag:s7], $0x1800  }
0x24: {  	s13 =	smov.u32 s15;
	s11 =	sadd.s32 $0x300, s11;
	[sflag:s7] =	ssyncset.done $0x0  }
0x25: {  	s12 =	sadd.s32 s12, s5;
	[sflag:s7] =	ssyncadd.s32 $0xFFFFE800  }
0x26: {  	[tilespmem:s2], [sflag:$0x2] =	stream.linear.gather [hbm4b:s12+s2], $0x80, $0x38;
	[tilespmem:$0x1880] =	vst v63  }
0x27: {  	_ =	swait.ge [sflag:s7], $0x80  }
0x28: {  	[sflag:s7] =	ssyncset.done $0x0  }
0x29: {  	[sflag:s7] =	ssyncadd.s32 $0xFFFFFF80  }
0x2a: {  	[tilespmem:s8], [sflag:$0x1] =	stream.indirect.gather [hbm4b:s3+s8], $0x30, s2, s8, $0xb8;
	[tilespmem:$0x1880] =	vst v63  }
0x2b: {  	s10 =	sadd.s32 $0x1, s10;
	_ =	swait.ge [sflag:s9], $0x1800  }
0x2c: {  	p0 =	sne.s32 s10, s4;
	[sflag:s9] =	ssyncset.done $0x0  }
.Ltmp1:
0x2d: {  	[sflag:s9] =	ssyncadd.s32 $0xFFFFE800;
	(pc) =	sbr.rel @p0 .LBB2_1-.Ltmp1, $4  }
0x2e: {  	[hbm4b:s11+s2] =	stream.linear.scatter [tilespmem:s8], [sflag:$0x2], $0x1800, $0x38;
	[tilespmem:$0x1880] =	vst v63  }
0x2f: {  	_ =	swait.ge [sflag:s7], $0x1800  }
0x30: {  	[sflag:s7] =	ssyncset.done $0x0  }
0x31: {  	[sflag:s7] =	ssyncadd.s32 $0xFFFFE800  }
0x32: {  	_ =	sfence.sel $0x180000  }
0x33: {  	[bflag:$0x0] =	sbarrier.arrive $0xFFFF  }
0x34: {  	p0 =	sne.s32 s1, $0x0;
	_ =	strace $0x9000004A  }
0x35: {  	s0 =	sadd.s32 @!p0 $0x100000, s0;
	[bflag:$0x2] =	sbarrier.arrive $0xFFFF  }
0x36: {  	[sflag:s0] =	ssyncadd.tile.s32 @!p0 $0x1;
	_ =	shalt  }
.Lfunc_end2:
_tile_overlayer_lowered:
.L_overlay_start_2:
0x37: {  	(tag) =	ssettag $0x2  }
0x38: {  	s0 =	rddreg [dreg:$0x0];
	s2 =	stileid.u32  }
0x39: {  	s1 =	rddreg [dreg:$0x1];
	p0 =	sne.s32 s2, $0x0  }
0x3a: {  	s3 =	rddreg [dreg:$0x2];
	[bflag:$0x3] =	sbarrier.arrive $0xFFFF;
	s2 =	simm.s32 @!p0 $0x1C02  }
0x3b: {  	[timem:s3], [sflag:s2] =	dma.local @!p0 [hbm:s0], s1  }
0x3c: {  	s0 =	simm.s32 @!p0 $0x2  }
0x3d: {  	_ =	swait.ge @!p0 [sflag:s0], s1  }
0x3e: {  	s1 =	ssub.s32 @!p0 $0x0, s1;
	[sflag:s0] =	ssyncset.done @!p0 $0x0  }
0x3f: {  	[sflag:s0] =	ssyncadd.s32 @!p0 s1  }
0x40: {  	[bflag:$0x3] =	sbarrier.arrive $0xFFFF  }
0x41: {  	_ =	shalt  }

</sc_bundles>
